<compile_context>
chip_gen: v7x
topology: tpu7x:2x2x1
jax: 0.10.2.dev20260603
libtpu: 0.0.44.dev20260713+nightly
codegen_flags: <defaults>
</compile_context>

<pallas_src>
import functools

import jax
import jax.numpy as jnp
import numpy as np
from jax import lax
from jax.experimental import pallas as pl
from jax.experimental.pallas import tpu as pltpu
from jax.experimental.pallas import tpu_sc as plsc

_F = 18
_S = _F - 2
_D = 128
_B = 1024

_NC = 2
_NS = 16
_NW = _NC * _NS
_NPW = _B // _NW
_RPW = _NPW * _S
_IDX_ROWS = _RPW // 128

_NODE_BLK = 1024
_COL_BLK = _NODE_BLK * _D


def _make_P() -> np.ndarray:
    A = np.zeros((_F, _F))
    Dg = np.eye(_F)
    Dg[0, 0] = (_F - 1) ** (-0.5)
    for i in range(_F - 1):
        A[0, i + 1] = 1.0
        A[i + 1, 0] = 1.0
    filt = np.eye(_F) - Dg @ (A @ Dg)
    _, U = np.linalg.eigh(filt)
    return U.astype(np.float32)[1:_S + 1, :]


_P_CONST = _make_P()


def _sc_gather_body(neigh_hbm, table_hbm, rows_hbm,
                    idx_v, rows_v, sem_g, sem_w):
    wid = lax.axis_index("s") * _NC + lax.axis_index("c")

    pltpu.sync_copy(neigh_hbm.at[pl.ds(wid * _IDX_ROWS, _IDX_ROWS)], idx_v)

    gets = [
        pltpu.async_copy(table_hbm.at[idx_v.at[q]],
                         rows_v.at[pl.ds(q * 128, 128)], sem_g)
        for q in range(_IDX_ROWS)
    ]

    blk = wid // (_NODE_BLK // _NPW)
    col0 = (wid % (_NODE_BLK // _NPW)) * _NPW * _D

    def _put(t):
        return pltpu.async_copy(
            rows_v.at[pl.ds(t * _NPW, _NPW)].reshape(1, _NPW * _D),
            rows_hbm.at[pl.ds(blk * _S + t, 1), pl.ds(col0, _NPW * _D)],
            sem_w)

    gets[0].wait()
    gets[1].wait()
    puts = [_put(t) for t in range(8)]
    gets[2].wait()
    gets[3].wait()
    puts += [_put(t) for t in range(8, _S)]
    for c in puts:
        c.wait()


@functools.partial(
    pl.kernel,
    out_type=jax.ShapeDtypeStruct((_B // _NODE_BLK * _S, _NODE_BLK * _D),
                                  jnp.float32),
    mesh=plsc.VectorSubcoreMesh(core_axis_name="c", subcore_axis_name="s"),
    scratch_types=[
        pltpu.VMEM((_IDX_ROWS, 128), jnp.int32),
        pltpu.VMEM((_RPW, _D), jnp.float32),
        pltpu.SemaphoreType.DMA,
        pltpu.SemaphoreType.DMA,
    ],
)
def _sc_gather(neigh_hbm, table_hbm, rows_hbm,
               idx_v, rows_v, sem_g, sem_w):
    _sc_gather_body(neigh_hbm, table_hbm, rows_hbm,
                    idx_v, rows_v, sem_g, sem_w)


def _spectral_body(x_ref, p_ref, w_ref, m_ref, o_ref):
    xm = x_ref[...]
    p = p_ref[...]
    w2 = lax.dot_general(p, xm, (((0,), (0,)), ((), ())),
                         precision=lax.Precision.DEFAULT,
                         preferred_element_type=jnp.float32)
    m3 = w_ref[...] * w2
    tf = lax.dot_general(p, m3, (((1,), (0,)), ((), ())),
                         precision=lax.Precision.DEFAULT,
                         preferred_element_type=jnp.float32)
    o_ref[...] = lax.dot_general(m_ref[...], tf, (((1,), (0,)), ((), ())),
                                 precision=lax.Precision.DEFAULT,
                                 preferred_element_type=jnp.float32)


def _bn_body(x_ref, gamma_ref, beta_ref, o_ref):
    x = x_ref[...]
    mean = jnp.mean(x, axis=0, keepdims=True)
    xc = x - mean
    var = jnp.mean(xc * xc, axis=0, keepdims=True)
    inv = lax.rsqrt(var + 1e-5)
    o_ref[...] = xc * (inv * gamma_ref[...]) + beta_ref[...]


def kernel(nodes, batch_neighbors, feat_table, weight, bn_gamma, bn_beta):
    del nodes
    neigh = (batch_neighbors.reshape(_NW, _NPW, _S)
             .transpose(0, 2, 1)
             .reshape(_NW * _IDX_ROWS, 128))
    x = _sc_gather(neigh, feat_table)

    bf_flat = pl.pallas_call(
        _spectral_body,
        grid=(_B // _NODE_BLK,),
        in_specs=[
            pl.BlockSpec((_S, _COL_BLK), lambda i: (i, 0)),
            pl.BlockSpec((_S, _F), lambda i: (0, 0)),
            pl.BlockSpec((_F, 1), lambda i: (0, 0)),
            pl.BlockSpec((1, _S), lambda i: (0, 0)),
        ],
        out_specs=pl.BlockSpec((1, _COL_BLK), lambda i: (0, i)),
        out_shape=jax.ShapeDtypeStruct((1, _B * _D), jnp.float32),
    )(x, jnp.asarray(_P_CONST), weight,
      jnp.full((1, _S), 1.0 / _S, jnp.float32))

    bf = bf_flat.reshape(_B, _D)
    return pl.pallas_call(
        _bn_body,
        out_shape=jax.ShapeDtypeStruct((_B, _D), jnp.float32),
    )(bf, bn_gamma.reshape(1, _D), bn_beta.reshape(1, _D))

# --- scband reference (transcript-rebuilt; emitter-appended) ---
"""Pipeline reference for scband-stc-layer-44684839748309 (READ-ONLY COPY).

The authoritative reference and input builder live on the scoring server;
editing this copy changes nothing except your own understanding.
"""

import jax, jax.numpy as jnp
import numpy as np

FILTER_SIZE = 18
FEATURE_DIM = 128
N_NODES = 100000
BATCH = 1024
NUM_SAMPLE = FILTER_SIZE - 2


def _make_U():
    F = FILTER_SIZE
    A = np.zeros((F, F))
    D = np.eye(F)
    I = np.eye(F)
    D[0, 0] = (F - 1) ** (-0.5)
    for i in range(F - 1):
        A[0, i + 1] = 1.0
        A[i + 1, 0] = 1.0
    filt = I - D @ (A @ D)
    s, u = np.linalg.eigh(filt)
    return jnp.asarray(u, dtype=jnp.float32)


def setup_inputs(seed: int = 0) -> dict:
    key = jax.random.key(seed)
    k1, k2, k3, k4 = jax.random.split(key, 4)
    nodes = jax.random.randint(k1, (BATCH,), 0, N_NODES, dtype=jnp.int64 if jax.config.jax_enable_x64 else jnp.int32).astype(jnp.int32)
    batch_neighbors = jax.random.randint(k2, (BATCH, NUM_SAMPLE), 0, N_NODES).astype(jnp.int32)
    feat_table = jax.random.normal(k3, (N_NODES, FEATURE_DIM), dtype=jnp.float32)
    bound = (6.0 / (FILTER_SIZE + 1)) ** 0.5  # xavier_uniform for (FILTER_SIZE, 1)
    weight = jax.random.uniform(k4, (FILTER_SIZE, 1), minval=-bound, maxval=bound, dtype=jnp.float32)
    bn_gamma = jnp.ones((FEATURE_DIM,), jnp.float32)
    bn_beta = jnp.zeros((FEATURE_DIM,), jnp.float32)
    return {"nodes": nodes, "batch_neighbors": batch_neighbors, "feat_table": feat_table,
            "weight": weight, "bn_gamma": bn_gamma, "bn_beta": bn_beta}


def reference(nodes, batch_neighbors, feat_table, weight, bn_gamma, bn_beta):
    U = _make_U()
    B, S = batch_neighbors.shape
    d = feat_table.shape[1]
    F = S + 2
    # unique-column layout: each sampled neighbor slot is its own column (no cross-batch dedup)
    col_idx = jnp.arange(B * S)
    # features(unique_nodes_list): table gather (SparseCore-style)
    emb = jnp.take(feat_table, batch_neighbors.reshape(-1), axis=0)  # [B*S, d]
    # mask2[1:num_Count+1, i*d:(i+1)*d] = neighbor features of star i
    mask2 = jnp.zeros((F, B * d), jnp.float32).at[1:S + 1, :].set(
        emb.reshape(B, S, d).transpose(1, 0, 2).reshape(S, B * d))
    weight2 = U.T @ mask2
    mask3 = weight * weight2
    temp_feat = U @ mask3  # [F, B*d]
    # scatter filtered features back into per-unique-node matrix
    emb1 = jnp.zeros((B * S, d), jnp.float32).at[col_idx].set(
        temp_feat[1:S + 1, :].reshape(S, B, d).transpose(1, 0, 2).reshape(B * S, d))
    # normalized adjacency mask: mask[i, col]=1 then row-normalize, then dense mm aggregation
    rows = jnp.repeat(jnp.arange(B), S)
    mask = jnp.zeros((B, B * S), jnp.float32).at[rows, col_idx].set(1.0)
    mask = mask / mask.sum(axis=1, keepdims=True)
    batch_features = mask @ emb1  # [B, d]
    # BatchNorm1d, training mode (biased variance, eps=1e-5)
    mean = batch_features.mean(axis=0)
    var = batch_features.var(axis=0)
    out = (batch_features - mean) / jnp.sqrt(var + 1e-5) * bn_gamma + bn_beta
    return out

if __name__ == "__main__":
    import jax
    _d = setup_inputs()
    print(jax.jit(kernel)(*tuple(_d.values())))

</pallas_src>

<mosaic_0001>
#map = affine_map<(d0, d1) -> (0, 0)>
module attributes {stable_mosaic.version = 14 : i64} {
  func.func @_sc_gather(%arg0: i32, %arg1: i32, %arg2: memref<128x128xi32, #tpu.memory_space<hbm>>, %arg3: memref<100000x128xf32, #tpu.memory_space<hbm>>, %arg4: memref<16x131072xf32, #tpu.memory_space<hbm>>, %arg5: memref<4x128xi32, #tpu.memory_space<vmem>>, %arg6: memref<512x128xf32, #tpu.memory_space<vmem>>, %arg7: memref<!tpu.dma_semaphore, #tpu.memory_space<semaphore_mem>>, %arg8: memref<!tpu.dma_semaphore, #tpu.memory_space<semaphore_mem>>) attributes {dimension_semantics = [#tpu.dimension_semantics<core_parallel>, #tpu.dimension_semantics<subcore_parallel>], iteration_bounds = array<i64: 2, 16>, scalar_prefetch = 0 : i64, scratch_operands = 4 : i64, tpu.core_type = #tpu.core_type<sc_vector_subcore>, window_params = [{transform_indices = #map}, {transform_indices = #map}, {transform_indices = #map}]} {
    %mul3A = arith.constant 2 : i32
    %mul3A_0 = arith.muli %arg1, %mul3A : i32
    %add3A = arith.addi %mul3A_0, %arg0 : i32
    %mul3A_1 = arith.constant 4 : i32
    %mul3A_2 = arith.muli %add3A, %mul3A_1 : i32
    "tpu.region"() ({
      %run_scoped3A = tpu.sem_alloc : memref<!tpu.dma_semaphore, #tpu.memory_space<semaphore_mem>>
      %dma_start3A_499 = arith.constant 0 : i32
      %dma_start3A_500 = tpu.memref_slice %arg2[%mul3A_2, %dma_start3A_499] : memref<128x128xi32, #tpu.memory_space<hbm>> -> memref<4x128xi32, #tpu.memory_space<hbm>>
      %dma_start3A_501 = arith.constant 0 : i32
      %dma_start3A_502 = tpu.memref_slice %arg2[%mul3A_2, %dma_start3A_501] : memref<128x128xi32, #tpu.memory_space<hbm>> -> memref<4x128xi32, #tpu.memory_space<hbm>>
      tpu.enqueue_dma source(%dma_start3A_502 : memref<4x128xi32, #tpu.memory_space<hbm>>) target(%arg5 : memref<4x128xi32, #tpu.memory_space<vmem>>) target_semaphore(%run_scoped3A : memref<!tpu.dma_semaphore, #tpu.memory_space<semaphore_mem>>)
      %dma_wait3A_503 = arith.constant 0 : i32
      %dma_wait3A_504 = tpu.memref_slice %arg2[%mul3A_2, %dma_wait3A_503] : memref<128x128xi32, #tpu.memory_space<hbm>> -> memref<4x128xi32, #tpu.memory_space<hbm>>
      %dma_wait3A_505 = arith.constant 0 : i32
      %dma_wait3A_506 = tpu.memref_slice %arg2[%mul3A_2, %dma_wait3A_505] : memref<128x128xi32, #tpu.memory_space<hbm>> -> memref<4x128xi32, #tpu.memory_space<hbm>>
      tpu.wait_dma2 semaphore(%run_scoped3A : memref<!tpu.dma_semaphore, #tpu.memory_space<semaphore_mem>>) src(%dma_wait3A_506 : memref<4x128xi32, #tpu.memory_space<hbm>>) dst(%arg5 : memref<4x128xi32, #tpu.memory_space<vmem>>)
      tpu.yield
    }) : () -> ()
    %dma_start3A = arith.constant 0 : i32
    %dma_start3A_3 = arith.constant 0 : i32
    %dma_start3A_4 = arith.constant 0 : i32
    %dma_start3A_5 = tpu.memref_slice %arg6[%dma_start3A_3, %dma_start3A_4] : memref<512x128xf32, #tpu.memory_space<vmem>> -> memref<128x128xf32, #tpu.memory_space<vmem>>
    %dma_start3A_6 = arith.constant 0 : i32
    %dma_start3A_7 = tpu.memref_slice %arg5[%dma_start3A, %dma_start3A_6] : memref<4x128xi32, #tpu.memory_space<vmem>> -> memref<1x128xi32, #tpu.memory_space<vmem>>
    %dma_start3A_8 = tpu.memref_squeeze %dma_start3A_7 : memref<1x128xi32, #tpu.memory_space<vmem>> -> memref<128xi32, #tpu.memory_space<vmem>>
    %dma_start3A_9 = arith.constant 0 : i32
    %dma_start3A_10 = arith.constant 0 : i32
    %dma_start3A_11 = tpu.memref_slice %arg3[%dma_start3A_9, %dma_start3A_10] : memref<100000x128xf32, #tpu.memory_space<hbm>> -> memref<100000x128xf32, #tpu.memory_space<hbm>>
    tpu.enqueue_indirect_dma source(%dma_start3A_11 : memref<100000x128xf32, #tpu.memory_space<hbm>>) target(%dma_start3A_5 : memref<128x128xf32, #tpu.memory_space<vmem>>) offsets(%dma_start3A_8 : memref<128xi32, #tpu.memory_space<vmem>>) semaphore(%arg7 : memref<!tpu.dma_semaphore, #tpu.memory_space<semaphore_mem>>)
    %dma_start3A_12 = arith.constant 1 : i32
    %dma_start3A_13 = arith.constant 128 : i32
    %dma_start3A_14 = arith.constant 0 : i32
    %dma_start3A_15 = tpu.memref_slice %arg6[%dma_start3A_13, %dma_start3A_14] : memref<512x128xf32, #tpu.memory_space<vmem>> -> memref<128x128xf32, #tpu.memory_space<vmem>>
    %dma_start3A_16 = arith.constant 0 : i32
    %dma_start3A_17 = tpu.memref_slice %arg5[%dma_start3A_12, %dma_start3A_16] : memref<4x128xi32, #tpu.memory_space<vmem>> -> memref<1x128xi32, #tpu.memory_space<vmem>>
    %dma_start3A_18 = tpu.memref_squeeze %dma_start3A_17 : memref<1x128xi32, #tpu.memory_space<vmem>> -> memref<128xi32, #tpu.memory_space<vmem>>
    %dma_start3A_19 = arith.constant 0 : i32
    %dma_start3A_20 = arith.constant 0 : i32
    %dma_start3A_21 = tpu.memref_slice %arg3[%dma_start3A_19, %dma_start3A_20] : memref<100000x128xf32, #tpu.memory_space<hbm>> -> memref<100000x128xf32, #tpu.memory_space<hbm>>
    tpu.enqueue_indirect_dma source(%dma_start3A_21 : memref<100000x128xf32, #tpu.memory_space<hbm>>) target(%dma_start3A_15 : memref<128x128xf32, #tpu.memory_space<vmem>>) offsets(%dma_start3A_18 : memref<128xi32, #tpu.memory_space<vmem>>) semaphore(%arg7 : memref<!tpu.dma_semaphore, #tpu.memory_space<semaphore_mem>>)
    %dma_start3A_22 = arith.constant 2 : i32
    %dma_start3A_23 = arith.constant 256 : i32
    %dma_start3A_24 = arith.constant 0 : i32
    %dma_start3A_25 = tpu.memref_slice %arg6[%dma_start3A_23, %dma_start3A_24] : memref<512x128xf32, #tpu.memory_space<vmem>> -> memref<128x128xf32, #tpu.memory_space<vmem>>
    %dma_start3A_26 = arith.constant 0 : i32
    %dma_start3A_27 = tpu.memref_slice %arg5[%dma_start3A_22, %dma_start3A_26] : memref<4x128xi32, #tpu.memory_space<vmem>> -> memref<1x128xi32, #tpu.memory_space<vmem>>
    %dma_start3A_28 = tpu.memref_squeeze %dma_start3A_27 : memref<1x128xi32, #tpu.memory_space<vmem>> -> memref<128xi32, #tpu.memory_space<vmem>>
    %dma_start3A_29 = arith.constant 0 : i32
    %dma_start3A_30 = arith.constant 0 : i32
    %dma_start3A_31 = tpu.memref_slice %arg3[%dma_start3A_29, %dma_start3A_30] : memref<100000x128xf32, #tpu.memory_space<hbm>> -> memref<100000x128xf32, #tpu.memory_space<hbm>>
    tpu.enqueue_indirect_dma source(%dma_start3A_31 : memref<100000x128xf32, #tpu.memory_space<hbm>>) target(%dma_start3A_25 : memref<128x128xf32, #tpu.memory_space<vmem>>) offsets(%dma_start3A_28 : memref<128xi32, #tpu.memory_space<vmem>>) semaphore(%arg7 : memref<!tpu.dma_semaphore, #tpu.memory_space<semaphore_mem>>)
    %dma_start3A_32 = arith.constant 3 : i32
    %dma_start3A_33 = arith.constant 384 : i32
    %dma_start3A_34 = arith.constant 0 : i32
    %dma_start3A_35 = tpu.memref_slice %arg6[%dma_start3A_33, %dma_start3A_34] : memref<512x128xf32, #tpu.memory_space<vmem>> -> memref<128x128xf32, #tpu.memory_space<vmem>>
    %dma_start3A_36 = arith.constant 0 : i32
    %dma_start3A_37 = tpu.memref_slice %arg5[%dma_start3A_32, %dma_start3A_36] : memref<4x128xi32, #tpu.memory_space<vmem>> -> memref<1x128xi32, #tpu.memory_space<vmem>>
    %dma_start3A_38 = tpu.memref_squeeze %dma_start3A_37 : memref<1x128xi32, #tpu.memory_space<vmem>> -> memref<128xi32, #tpu.memory_space<vmem>>
    %dma_start3A_39 = arith.constant 0 : i32
    %dma_start3A_40 = arith.constant 0 : i32
    %dma_start3A_41 = tpu.memref_slice %arg3[%dma_start3A_39, %dma_start3A_40] : memref<100000x128xf32, #tpu.memory_space<hbm>> -> memref<100000x128xf32, #tpu.memory_space<hbm>>
    tpu.enqueue_indirect_dma source(%dma_start3A_41 : memref<100000x128xf32, #tpu.memory_space<hbm>>) target(%dma_start3A_35 : memref<128x128xf32, #tpu.memory_space<vmem>>) offsets(%dma_start3A_38 : memref<128xi32, #tpu.memory_space<vmem>>) semaphore(%arg7 : memref<!tpu.dma_semaphore, #tpu.memory_space<semaphore_mem>>)
    %jit3A = arith.constant 32 : i32
    %div3A = arith.divsi %add3A, %jit3A : i32
    %sign3A = arith.constant 0 : i32
    %sign3A_42 = arith.cmpi sgt, %add3A, %sign3A : i32
    %sign3A_43 = arith.extui %sign3A_42 : i1 to i32
    %sign3A_44 = arith.constant 0 : i32
    %sign3A_45 = arith.cmpi slt, %add3A, %sign3A_44 : i32
    %sign3A_46 = arith.extui %sign3A_45 : i1 to i32
    %sign3A_47 = arith.subi %sign3A_43, %sign3A_46 : i32
    %sign3A_48 = arith.constant 0 : i32
    %sign3A_49 = arith.cmpi sgt, %jit3A, %sign3A_48 : i32
    %sign3A_50 = arith.extui %sign3A_49 : i1 to i32
    %sign3A_51 = arith.constant 0 : i32
    %sign3A_52 = arith.cmpi slt, %jit3A, %sign3A_51 : i32
    %sign3A_53 = arith.extui %sign3A_52 : i1 to i32
    %sign3A_54 = arith.subi %sign3A_50, %sign3A_53 : i32
    %ne3A = arith.cmpi ne, %sign3A_47, %sign3A_54 : i32
    %rem3A = arith.remsi %add3A, %jit3A : i32
    %ne3A_55 = arith.constant 0 : i32
    %ne3A_56 = arith.cmpi ne, %rem3A, %ne3A_55 : i32
    %and3A = arith.andi %ne3A, %ne3A_56 : i1
    %sub3A = arith.constant 1 : i32
    %sub3A_57 = arith.subi %div3A, %sub3A : i32
    %select_n3A = arith.select %and3A, %sub3A_57, %div3A : i32
    %jit3A_58 = arith.constant 32 : i32
    %eq3A = arith.constant 0 : i32
    %eq3A_59 = arith.cmpi eq, %jit3A_58, %eq3A : i32
    %jit3A_60 = arith.constant 1 : i32
    %select_n3A_61 = arith.select %eq3A_59, %jit3A_60, %jit3A_58 : i32
    %rem3A_62 = arith.remsi %add3A, %select_n3A_61 : i32
    %ne3A_63 = arith.constant 0 : i32
    %ne3A_64 = arith.cmpi ne, %rem3A_62, %ne3A_63 : i32
    %lt3A = arith.constant 0 : i32
    %lt3A_65 = arith.cmpi slt, %rem3A_62, %lt3A : i32
    %lt3A_66 = arith.constant 0 : i32
    %lt3A_67 = arith.cmpi slt, %select_n3A_61, %lt3A_66 : i32
    %ne3A_68 = arith.xori %lt3A_65, %lt3A_67 : i1
    %and3A_69 = arith.andi %ne3A_68, %ne3A_64 : i1
    %add3A_70 = arith.addi %rem3A_62, %select_n3A_61 : i32
    %select_n3A_71 = arith.select %and3A_69, %add3A_70, %rem3A_62 : i32
    %mul3A_72 = arith.constant 32 : i32
    %mul3A_73 = arith.muli %select_n3A_71, %mul3A_72 : i32
    %mul3A_74 = arith.constant 128 : i32
    %mul3A_75 = arith.muli %mul3A_73, %mul3A_74 : i32
    %dma_wait3A = arith.constant 0 : i32
    %dma_wait3A_76 = arith.constant 0 : i32
    %dma_wait3A_77 = arith.constant 0 : i32
    %dma_wait3A_78 = tpu.memref_slice %arg6[%dma_wait3A_76, %dma_wait3A_77] : memref<512x128xf32, #tpu.memory_space<vmem>> -> memref<128x128xf32, #tpu.memory_space<vmem>>
    %dma_wait3A_79 = arith.constant 0 : i32
    %dma_wait3A_80 = tpu.memref_slice %arg5[%dma_wait3A, %dma_wait3A_79] : memref<4x128xi32, #tpu.memory_space<vmem>> -> memref<1x128xi32, #tpu.memory_space<vmem>>
    %dma_wait3A_81 = tpu.memref_squeeze %dma_wait3A_80 : memref<1x128xi32, #tpu.memory_space<vmem>> -> memref<128xi32, #tpu.memory_space<vmem>>
    %dma_wait3A_82 = arith.constant 0 : i32
    %dma_wait3A_83 = arith.constant 0 : i32
    %dma_wait3A_84 = tpu.memref_slice %arg3[%dma_wait3A_82, %dma_wait3A_83] : memref<100000x128xf32, #tpu.memory_space<hbm>> -> memref<100000x128xf32, #tpu.memory_space<hbm>>
    tpu.wait_indirect_dma semaphore(%arg7 : memref<!tpu.dma_semaphore, #tpu.memory_space<semaphore_mem>>) src(%dma_wait3A_84 : memref<100000x128xf32, #tpu.memory_space<hbm>>) dst(%dma_wait3A_78 : memref<128x128xf32, #tpu.memory_space<vmem>>)
    %dma_wait3A_85 = arith.constant 1 : i32
    %dma_wait3A_86 = arith.constant 128 : i32
    %dma_wait3A_87 = arith.constant 0 : i32
    %dma_wait3A_88 = tpu.memref_slice %arg6[%dma_wait3A_86, %dma_wait3A_87] : memref<512x128xf32, #tpu.memory_space<vmem>> -> memref<128x128xf32, #tpu.memory_space<vmem>>
    %dma_wait3A_89 = arith.constant 0 : i32
    %dma_wait3A_90 = tpu.memref_slice %arg5[%dma_wait3A_85, %dma_wait3A_89] : memref<4x128xi32, #tpu.memory_space<vmem>> -> memref<1x128xi32, #tpu.memory_space<vmem>>
    %dma_wait3A_91 = tpu.memref_squeeze %dma_wait3A_90 : memref<1x128xi32, #tpu.memory_space<vmem>> -> memref<128xi32, #tpu.memory_space<vmem>>
    %dma_wait3A_92 = arith.constant 0 : i32
    %dma_wait3A_93 = arith.constant 0 : i32
    %dma_wait3A_94 = tpu.memref_slice %arg3[%dma_wait3A_92, %dma_wait3A_93] : memref<100000x128xf32, #tpu.memory_space<hbm>> -> memref<100000x128xf32, #tpu.memory_space<hbm>>
    tpu.wait_indirect_dma semaphore(%arg7 : memref<!tpu.dma_semaphore, #tpu.memory_space<semaphore_mem>>) src(%dma_wait3A_94 : memref<100000x128xf32, #tpu.memory_space<hbm>>) dst(%dma_wait3A_88 : memref<128x128xf32, #tpu.memory_space<vmem>>)
    %mul3A_95 = arith.constant 16 : i32
    %mul3A_96 = arith.muli %select_n3A, %mul3A_95 : i32
    %add3A_97 = arith.constant 0 : i32
    %add3A_98 = arith.addi %mul3A_96, %add3A_97 : i32
    %dma_start3A_99 = arith.constant 0 : i32
    %dma_start3A_100 = arith.constant 0 : i32
    %dma_start3A_101 = tpu.memref_slice %arg6[%dma_start3A_99, %dma_start3A_100] : memref<512x128xf32, #tpu.memory_space<vmem>> -> memref<32x128xf32, #tpu.memory_space<vmem>>
    %dma_start3A_102 = tpu.memref_reshape %dma_start3A_101 : memref<32x128xf32, #tpu.memory_space<vmem>> -> memref<1x4096xf32, #tpu.memory_space<vmem>>
    %dma_start3A_103 = tpu.memref_slice %arg4[%add3A_98, %mul3A_75] : memref<16x131072xf32, #tpu.memory_space<hbm>> -> memref<1x4096xf32, #tpu.memory_space<hbm>>
    %dma_start3A_104 = tpu.memref_slice %arg4[%add3A_98, %mul3A_75] : memref<16x131072xf32, #tpu.memory_space<hbm>> -> memref<1x4096xf32, #tpu.memory_space<hbm>>
    %dma_start3A_105 = arith.constant 0 : i32
    %dma_start3A_106 = arith.constant 0 : i32
    %dma_start3A_107 = tpu.memref_slice %arg6[%dma_start3A_105, %dma_start3A_106] : memref<512x128xf32, #tpu.memory_space<vmem>> -> memref<32x128xf32, #tpu.memory_space<vmem>>
    %dma_start3A_108 = tpu.memref_reshape %dma_start3A_107 : memref<32x128xf32, #tpu.memory_space<vmem>> -> memref<1x4096xf32, #tpu.memory_space<vmem>>
    tpu.enqueue_dma source(%dma_start3A_108 : memref<1x4096xf32, #tpu.memory_space<vmem>>) target(%dma_start3A_104 : memref<1x4096xf32, #tpu.memory_space<hbm>>) target_semaphore(%arg8 : memref<!tpu.dma_semaphore, #tpu.memory_space<semaphore_mem>>)
    %mul3A_109 = arith.constant 16 : i32
    %mul3A_110 = arith.muli %select_n3A, %mul3A_109 : i32
    %add3A_111 = arith.constant 1 : i32
    %add3A_112 = arith.addi %mul3A_110, %add3A_111 : i32
    %dma_start3A_113 = arith.constant 32 : i32
    %dma_start3A_114 = arith.constant 0 : i32
    %dma_start3A_115 = tpu.memref_slice %arg6[%dma_start3A_113, %dma_start3A_114] : memref<512x128xf32, #tpu.memory_space<vmem>> -> memref<32x128xf32, #tpu.memory_space<vmem>>
    %dma_start3A_116 = tpu.memref_reshape %dma_start3A_115 : memref<32x128xf32, #tpu.memory_space<vmem>> -> memref<1x4096xf32, #tpu.memory_space<vmem>>
    %dma_start3A_117 = tpu.memref_slice %arg4[%add3A_112, %mul3A_75] : memref<16x131072xf32, #tpu.memory_space<hbm>> -> memref<1x4096xf32, #tpu.memory_space<hbm>>
    %dma_start3A_118 = tpu.memref_slice %arg4[%add3A_112, %mul3A_75] : memref<16x131072xf32, #tpu.memory_space<hbm>> -> memref<1x4096xf32, #tpu.memory_space<hbm>>
    %dma_start3A_119 = arith.constant 32 : i32
    %dma_start3A_120 = arith.constant 0 : i32
    %dma_start3A_121 = tpu.memref_slice %arg6[%dma_start3A_119, %dma_start3A_120] : memref<512x128xf32, #tpu.memory_space<vmem>> -> memref<32x128xf32, #tpu.memory_space<vmem>>
    %dma_start3A_122 = tpu.memref_reshape %dma_start3A_121 : memref<32x128xf32, #tpu.memory_space<vmem>> -> memref<1x4096xf32, #tpu.memory_space<vmem>>
    tpu.enqueue_dma source(%dma_start3A_122 : memref<1x4096xf32, #tpu.memory_space<vmem>>) target(%dma_start3A_118 : memref<1x4096xf32, #tpu.memory_space<hbm>>) target_semaphore(%arg8 : memref<!tpu.dma_semaphore, #tpu.memory_space<semaphore_mem>>)
    %mul3A_123 = arith.constant 16 : i32
    %mul3A_124 = arith.muli %select_n3A, %mul3A_123 : i32
    %add3A_125 = arith.constant 2 : i32
    %add3A_126 = arith.addi %mul3A_124, %add3A_125 : i32
    %dma_start3A_127 = arith.constant 64 : i32
    %dma_start3A_128 = arith.constant 0 : i32
    %dma_start3A_129 = tpu.memref_slice %arg6[%dma_start3A_127, %dma_start3A_128] : memref<512x128xf32, #tpu.memory_space<vmem>> -> memref<32x128xf32, #tpu.memory_space<vmem>>
    %dma_start3A_130 = tpu.memref_reshape %dma_start3A_129 : memref<32x128xf32, #tpu.memory_space<vmem>> -> memref<1x4096xf32, #tpu.memory_space<vmem>>
    %dma_start3A_131 = tpu.memref_slice %arg4[%add3A_126, %mul3A_75] : memref<16x131072xf32, #tpu.memory_space<hbm>> -> memref<1x4096xf32, #tpu.memory_space<hbm>>
    %dma_start3A_132 = tpu.memref_slice %arg4[%add3A_126, %mul3A_75] : memref<16x131072xf32, #tpu.memory_space<hbm>> -> memref<1x4096xf32, #tpu.memory_space<hbm>>
    %dma_start3A_133 = arith.constant 64 : i32
    %dma_start3A_134 = arith.constant 0 : i32
    %dma_start3A_135 = tpu.memref_slice %arg6[%dma_start3A_133, %dma_start3A_134] : memref<512x128xf32, #tpu.memory_space<vmem>> -> memref<32x128xf32, #tpu.memory_space<vmem>>
    %dma_start3A_136 = tpu.memref_reshape %dma_start3A_135 : memref<32x128xf32, #tpu.memory_space<vmem>> -> memref<1x4096xf32, #tpu.memory_space<vmem>>
    tpu.enqueue_dma source(%dma_start3A_136 : memref<1x4096xf32, #tpu.memory_space<vmem>>) target(%dma_start3A_132 : memref<1x4096xf32, #tpu.memory_space<hbm>>) target_semaphore(%arg8 : memref<!tpu.dma_semaphore, #tpu.memory_space<semaphore_mem>>)
    %mul3A_137 = arith.constant 16 : i32
    %mul3A_138 = arith.muli %select_n3A, %mul3A_137 : i32
    %add3A_139 = arith.constant 3 : i32
    %add3A_140 = arith.addi %mul3A_138, %add3A_139 : i32
    %dma_start3A_141 = arith.constant 96 : i32
    %dma_start3A_142 = arith.constant 0 : i32
    %dma_start3A_143 = tpu.memref_slice %arg6[%dma_start3A_141, %dma_start3A_142] : memref<512x128xf32, #tpu.memory_space<vmem>> -> memref<32x128xf32, #tpu.memory_space<vmem>>
    %dma_start3A_144 = tpu.memref_reshape %dma_start3A_143 : memref<32x128xf32, #tpu.memory_space<vmem>> -> memref<1x4096xf32, #tpu.memory_space<vmem>>
    %dma_start3A_145 = tpu.memref_slice %arg4[%add3A_140, %mul3A_75] : memref<16x131072xf32, #tpu.memory_space<hbm>> -> memref<1x4096xf32, #tpu.memory_space<hbm>>
    %dma_start3A_146 = tpu.memref_slice %arg4[%add3A_140, %mul3A_75] : memref<16x131072xf32, #tpu.memory_space<hbm>> -> memref<1x4096xf32, #tpu.memory_space<hbm>>
    %dma_start3A_147 = arith.constant 96 : i32
    %dma_start3A_148 = arith.constant 0 : i32
    %dma_start3A_149 = tpu.memref_slice %arg6[%dma_start3A_147, %dma_start3A_148] : memref<512x128xf32, #tpu.memory_space<vmem>> -> memref<32x128xf32, #tpu.memory_space<vmem>>
    %dma_start3A_150 = tpu.memref_reshape %dma_start3A_149 : memref<32x128xf32, #tpu.memory_space<vmem>> -> memref<1x4096xf32, #tpu.memory_space<vmem>>
    tpu.enqueue_dma source(%dma_start3A_150 : memref<1x4096xf32, #tpu.memory_space<vmem>>) target(%dma_start3A_146 : memref<1x4096xf32, #tpu.memory_space<hbm>>) target_semaphore(%arg8 : memref<!tpu.dma_semaphore, #tpu.memory_space<semaphore_mem>>)
    %mul3A_151 = arith.constant 16 : i32
    %mul3A_152 = arith.muli %select_n3A, %mul3A_151 : i32
    %add3A_153 = arith.constant 4 : i32
    %add3A_154 = arith.addi %mul3A_152, %add3A_153 : i32
    %dma_start3A_155 = arith.constant 128 : i32
    %dma_start3A_156 = arith.constant 0 : i32
    %dma_start3A_157 = tpu.memref_slice %arg6[%dma_start3A_155, %dma_start3A_156] : memref<512x128xf32, #tpu.memory_space<vmem>> -> memref<32x128xf32, #tpu.memory_space<vmem>>
    %dma_start3A_158 = tpu.memref_reshape %dma_start3A_157 : memref<32x128xf32, #tpu.memory_space<vmem>> -> memref<1x4096xf32, #tpu.memory_space<vmem>>
    %dma_start3A_159 = tpu.memref_slice %arg4[%add3A_154, %mul3A_75] : memref<16x131072xf32, #tpu.memory_space<hbm>> -> memref<1x4096xf32, #tpu.memory_space<hbm>>
    %dma_start3A_160 = tpu.memref_slice %arg4[%add3A_154, %mul3A_75] : memref<16x131072xf32, #tpu.memory_space<hbm>> -> memref<1x4096xf32, #tpu.memory_space<hbm>>
    %dma_start3A_161 = arith.constant 128 : i32
    %dma_start3A_162 = arith.constant 0 : i32
    %dma_start3A_163 = tpu.memref_slice %arg6[%dma_start3A_161, %dma_start3A_162] : memref<512x128xf32, #tpu.memory_space<vmem>> -> memref<32x128xf32, #tpu.memory_space<vmem>>
    %dma_start3A_164 = tpu.memref_reshape %dma_start3A_163 : memref<32x128xf32, #tpu.memory_space<vmem>> -> memref<1x4096xf32, #tpu.memory_space<vmem>>
    tpu.enqueue_dma source(%dma_start3A_164 : memref<1x4096xf32, #tpu.memory_space<vmem>>) target(%dma_start3A_160 : memref<1x4096xf32, #tpu.memory_space<hbm>>) target_semaphore(%arg8 : memref<!tpu.dma_semaphore, #tpu.memory_space<semaphore_mem>>)
    %mul3A_165 = arith.constant 16 : i32
    %mul3A_166 = arith.muli %select_n3A, %mul3A_165 : i32
    %add3A_167 = arith.constant 5 : i32
    %add3A_168 = arith.addi %mul3A_166, %add3A_167 : i32
    %dma_start3A_169 = arith.constant 160 : i32
    %dma_start3A_170 = arith.constant 0 : i32
    %dma_start3A_171 = tpu.memref_slice %arg6[%dma_start3A_169, %dma_start3A_170] : memref<512x128xf32, #tpu.memory_space<vmem>> -> memref<32x128xf32, #tpu.memory_space<vmem>>
    %dma_start3A_172 = tpu.memref_reshape %dma_start3A_171 : memref<32x128xf32, #tpu.memory_space<vmem>> -> memref<1x4096xf32, #tpu.memory_space<vmem>>
    %dma_start3A_173 = tpu.memref_slice %arg4[%add3A_168, %mul3A_75] : memref<16x131072xf32, #tpu.memory_space<hbm>> -> memref<1x4096xf32, #tpu.memory_space<hbm>>
    %dma_start3A_174 = tpu.memref_slice %arg4[%add3A_168, %mul3A_75] : memref<16x131072xf32, #tpu.memory_space<hbm>> -> memref<1x4096xf32, #tpu.memory_space<hbm>>
    %dma_start3A_175 = arith.constant 160 : i32
    %dma_start3A_176 = arith.constant 0 : i32
    %dma_start3A_177 = tpu.memref_slice %arg6[%dma_start3A_175, %dma_start3A_176] : memref<512x128xf32, #tpu.memory_space<vmem>> -> memref<32x128xf32, #tpu.memory_space<vmem>>
    %dma_start3A_178 = tpu.memref_reshape %dma_start3A_177 : memref<32x128xf32, #tpu.memory_space<vmem>> -> memref<1x4096xf32, #tpu.memory_space<vmem>>
    tpu.enqueue_dma source(%dma_start3A_178 : memref<1x4096xf32, #tpu.memory_space<vmem>>) target(%dma_start3A_174 : memref<1x4096xf32, #tpu.memory_space<hbm>>) target_semaphore(%arg8 : memref<!tpu.dma_semaphore, #tpu.memory_space<semaphore_mem>>)
    %mul3A_179 = arith.constant 16 : i32
    %mul3A_180 = arith.muli %select_n3A, %mul3A_179 : i32
    %add3A_181 = arith.constant 6 : i32
    %add3A_182 = arith.addi %mul3A_180, %add3A_181 : i32
    %dma_start3A_183 = arith.constant 192 : i32
    %dma_start3A_184 = arith.constant 0 : i32
    %dma_start3A_185 = tpu.memref_slice %arg6[%dma_start3A_183, %dma_start3A_184] : memref<512x128xf32, #tpu.memory_space<vmem>> -> memref<32x128xf32, #tpu.memory_space<vmem>>
    %dma_start3A_186 = tpu.memref_reshape %dma_start3A_185 : memref<32x128xf32, #tpu.memory_space<vmem>> -> memref<1x4096xf32, #tpu.memory_space<vmem>>
    %dma_start3A_187 = tpu.memref_slice %arg4[%add3A_182, %mul3A_75] : memref<16x131072xf32, #tpu.memory_space<hbm>> -> memref<1x4096xf32, #tpu.memory_space<hbm>>
    %dma_start3A_188 = tpu.memref_slice %arg4[%add3A_182, %mul3A_75] : memref<16x131072xf32, #tpu.memory_space<hbm>> -> memref<1x4096xf32, #tpu.memory_space<hbm>>
    %dma_start3A_189 = arith.constant 192 : i32
    %dma_start3A_190 = arith.constant 0 : i32
    %dma_start3A_191 = tpu.memref_slice %arg6[%dma_start3A_189, %dma_start3A_190] : memref<512x128xf32, #tpu.memory_space<vmem>> -> memref<32x128xf32, #tpu.memory_space<vmem>>
    %dma_start3A_192 = tpu.memref_reshape %dma_start3A_191 : memref<32x128xf32, #tpu.memory_space<vmem>> -> memref<1x4096xf32, #tpu.memory_space<vmem>>
    tpu.enqueue_dma source(%dma_start3A_192 : memref<1x4096xf32, #tpu.memory_space<vmem>>) target(%dma_start3A_188 : memref<1x4096xf32, #tpu.memory_space<hbm>>) target_semaphore(%arg8 : memref<!tpu.dma_semaphore, #tpu.memory_space<semaphore_mem>>)
    %mul3A_193 = arith.constant 16 : i32
    %mul3A_194 = arith.muli %select_n3A, %mul3A_193 : i32
    %add3A_195 = arith.constant 7 : i32
    %add3A_196 = arith.addi %mul3A_194, %add3A_195 : i32
    %dma_start3A_197 = arith.constant 224 : i32
    %dma_start3A_198 = arith.constant 0 : i32
    %dma_start3A_199 = tpu.memref_slice %arg6[%dma_start3A_197, %dma_start3A_198] : memref<512x128xf32, #tpu.memory_space<vmem>> -> memref<32x128xf32, #tpu.memory_space<vmem>>
    %dma_start3A_200 = tpu.memref_reshape %dma_start3A_199 : memref<32x128xf32, #tpu.memory_space<vmem>> -> memref<1x4096xf32, #tpu.memory_space<vmem>>
    %dma_start3A_201 = tpu.memref_slice %arg4[%add3A_196, %mul3A_75] : memref<16x131072xf32, #tpu.memory_space<hbm>> -> memref<1x4096xf32, #tpu.memory_space<hbm>>
    %dma_start3A_202 = tpu.memref_slice %arg4[%add3A_196, %mul3A_75] : memref<16x131072xf32, #tpu.memory_space<hbm>> -> memref<1x4096xf32, #tpu.memory_space<hbm>>
    %dma_start3A_203 = arith.constant 224 : i32
    %dma_start3A_204 = arith.constant 0 : i32
    %dma_start3A_205 = tpu.memref_slice %arg6[%dma_start3A_203, %dma_start3A_204] : memref<512x128xf32, #tpu.memory_space<vmem>> -> memref<32x128xf32, #tpu.memory_space<vmem>>
    %dma_start3A_206 = tpu.memref_reshape %dma_start3A_205 : memref<32x128xf32, #tpu.memory_space<vmem>> -> memref<1x4096xf32, #tpu.memory_space<vmem>>
    tpu.enqueue_dma source(%dma_start3A_206 : memref<1x4096xf32, #tpu.memory_space<vmem>>) target(%dma_start3A_202 : memref<1x4096xf32, #tpu.memory_space<hbm>>) target_semaphore(%arg8 : memref<!tpu.dma_semaphore, #tpu.memory_space<semaphore_mem>>)
    %dma_wait3A_207 = arith.constant 2 : i32
    %dma_wait3A_208 = arith.constant 256 : i32
    %dma_wait3A_209 = arith.constant 0 : i32
    %dma_wait3A_210 = tpu.memref_slice %arg6[%dma_wait3A_208, %dma_wait3A_209] : memref<512x128xf32, #tpu.memory_space<vmem>> -> memref<128x128xf32, #tpu.memory_space<vmem>>
    %dma_wait3A_211 = arith.constant 0 : i32
    %dma_wait3A_212 = tpu.memref_slice %arg5[%dma_wait3A_207, %dma_wait3A_211] : memref<4x128xi32, #tpu.memory_space<vmem>> -> memref<1x128xi32, #tpu.memory_space<vmem>>
    %dma_wait3A_213 = tpu.memref_squeeze %dma_wait3A_212 : memref<1x128xi32, #tpu.memory_space<vmem>> -> memref<128xi32, #tpu.memory_space<vmem>>
    %dma_wait3A_214 = arith.constant 0 : i32
    %dma_wait3A_215 = arith.constant 0 : i32
    %dma_wait3A_216 = tpu.memref_slice %arg3[%dma_wait3A_214, %dma_wait3A_215] : memref<100000x128xf32, #tpu.memory_space<hbm>> -> memref<100000x128xf32, #tpu.memory_space<hbm>>
    tpu.wait_indirect_dma semaphore(%arg7 : memref<!tpu.dma_semaphore, #tpu.memory_space<semaphore_mem>>) src(%dma_wait3A_216 : memref<100000x128xf32, #tpu.memory_space<hbm>>) dst(%dma_wait3A_210 : memref<128x128xf32, #tpu.memory_space<vmem>>)
    %dma_wait3A_217 = arith.constant 3 : i32
    %dma_wait3A_218 = arith.constant 384 : i32
    %dma_wait3A_219 = arith.constant 0 : i32
    %dma_wait3A_220 = tpu.memref_slice %arg6[%dma_wait3A_218, %dma_wait3A_219] : memref<512x128xf32, #tpu.memory_space<vmem>> -> memref<128x128xf32, #tpu.memory_space<vmem>>
    %dma_wait3A_221 = arith.constant 0 : i32
    %dma_wait3A_222 = tpu.memref_slice %arg5[%dma_wait3A_217, %dma_wait3A_221] : memref<4x128xi32, #tpu.memory_space<vmem>> -> memref<1x128xi32, #tpu.memory_space<vmem>>
    %dma_wait3A_223 = tpu.memref_squeeze %dma_wait3A_222 : memref<1x128xi32, #tpu.memory_space<vmem>> -> memref<128xi32, #tpu.memory_space<vmem>>
    %dma_wait3A_224 = arith.constant 0 : i32
    %dma_wait3A_225 = arith.constant 0 : i32
    %dma_wait3A_226 = tpu.memref_slice %arg3[%dma_wait3A_224, %dma_wait3A_225] : memref<100000x128xf32, #tpu.memory_space<hbm>> -> memref<100000x128xf32, #tpu.memory_space<hbm>>
    tpu.wait_indirect_dma semaphore(%arg7 : memref<!tpu.dma_semaphore, #tpu.memory_space<semaphore_mem>>) src(%dma_wait3A_226 : memref<100000x128xf32, #tpu.memory_space<hbm>>) dst(%dma_wait3A_220 : memref<128x128xf32, #tpu.memory_space<vmem>>)
    %mul3A_227 = arith.constant 16 : i32
    %mul3A_228 = arith.muli %select_n3A, %mul3A_227 : i32
    %add3A_229 = arith.constant 8 : i32
    %add3A_230 = arith.addi %mul3A_228, %add3A_229 : i32
    %dma_start3A_231 = arith.constant 256 : i32
    %dma_start3A_232 = arith.constant 0 : i32
    %dma_start3A_233 = tpu.memref_slice %arg6[%dma_start3A_231, %dma_start3A_232] : memref<512x128xf32, #tpu.memory_space<vmem>> -> memref<32x128xf32, #tpu.memory_space<vmem>>
    %dma_start3A_234 = tpu.memref_reshape %dma_start3A_233 : memref<32x128xf32, #tpu.memory_space<vmem>> -> memref<1x4096xf32, #tpu.memory_space<vmem>>
    %dma_start3A_235 = tpu.memref_slice %arg4[%add3A_230, %mul3A_75] : memref<16x131072xf32, #tpu.memory_space<hbm>> -> memref<1x4096xf32, #tpu.memory_space<hbm>>
    %dma_start3A_236 = tpu.memref_slice %arg4[%add3A_230, %mul3A_75] : memref<16x131072xf32, #tpu.memory_space<hbm>> -> memref<1x4096xf32, #tpu.memory_space<hbm>>
    %dma_start3A_237 = arith.constant 256 : i32
    %dma_start3A_238 = arith.constant 0 : i32
    %dma_start3A_239 = tpu.memref_slice %arg6[%dma_start3A_237, %dma_start3A_238] : memref<512x128xf32, #tpu.memory_space<vmem>> -> memref<32x128xf32, #tpu.memory_space<vmem>>
    %dma_start3A_240 = tpu.memref_reshape %dma_start3A_239 : memref<32x128xf32, #tpu.memory_space<vmem>> -> memref<1x4096xf32, #tpu.memory_space<vmem>>
    tpu.enqueue_dma source(%dma_start3A_240 : memref<1x4096xf32, #tpu.memory_space<vmem>>) target(%dma_start3A_236 : memref<1x4096xf32, #tpu.memory_space<hbm>>) target_semaphore(%arg8 : memref<!tpu.dma_semaphore, #tpu.memory_space<semaphore_mem>>)
    %mul3A_241 = arith.constant 16 : i32
    %mul3A_242 = arith.muli %select_n3A, %mul3A_241 : i32
    %add3A_243 = arith.constant 9 : i32
    %add3A_244 = arith.addi %mul3A_242, %add3A_243 : i32
    %dma_start3A_245 = arith.constant 288 : i32
    %dma_start3A_246 = arith.constant 0 : i32
    %dma_start3A_247 = tpu.memref_slice %arg6[%dma_start3A_245, %dma_start3A_246] : memref<512x128xf32, #tpu.memory_space<vmem>> -> memref<32x128xf32, #tpu.memory_space<vmem>>
    %dma_start3A_248 = tpu.memref_reshape %dma_start3A_247 : memref<32x128xf32, #tpu.memory_space<vmem>> -> memref<1x4096xf32, #tpu.memory_space<vmem>>
    %dma_start3A_249 = tpu.memref_slice %arg4[%add3A_244, %mul3A_75] : memref<16x131072xf32, #tpu.memory_space<hbm>> -> memref<1x4096xf32, #tpu.memory_space<hbm>>
    %dma_start3A_250 = tpu.memref_slice %arg4[%add3A_244, %mul3A_75] : memref<16x131072xf32, #tpu.memory_space<hbm>> -> memref<1x4096xf32, #tpu.memory_space<hbm>>
    %dma_start3A_251 = arith.constant 288 : i32
    %dma_start3A_252 = arith.constant 0 : i32
    %dma_start3A_253 = tpu.memref_slice %arg6[%dma_start3A_251, %dma_start3A_252] : memref<512x128xf32, #tpu.memory_space<vmem>> -> memref<32x128xf32, #tpu.memory_space<vmem>>
    %dma_start3A_254 = tpu.memref_reshape %dma_start3A_253 : memref<32x128xf32, #tpu.memory_space<vmem>> -> memref<1x4096xf32, #tpu.memory_space<vmem>>
    tpu.enqueue_dma source(%dma_start3A_254 : memref<1x4096xf32, #tpu.memory_space<vmem>>) target(%dma_start3A_250 : memref<1x4096xf32, #tpu.memory_space<hbm>>) target_semaphore(%arg8 : memref<!tpu.dma_semaphore, #tpu.memory_space<semaphore_mem>>)
    %mul3A_255 = arith.constant 16 : i32
    %mul3A_256 = arith.muli %select_n3A, %mul3A_255 : i32
    %add3A_257 = arith.constant 10 : i32
    %add3A_258 = arith.addi %mul3A_256, %add3A_257 : i32
    %dma_start3A_259 = arith.constant 320 : i32
    %dma_start3A_260 = arith.constant 0 : i32
    %dma_start3A_261 = tpu.memref_slice %arg6[%dma_start3A_259, %dma_start3A_260] : memref<512x128xf32, #tpu.memory_space<vmem>> -> memref<32x128xf32, #tpu.memory_space<vmem>>
    %dma_start3A_262 = tpu.memref_reshape %dma_start3A_261 : memref<32x128xf32, #tpu.memory_space<vmem>> -> memref<1x4096xf32, #tpu.memory_space<vmem>>
    %dma_start3A_263 = tpu.memref_slice %arg4[%add3A_258, %mul3A_75] : memref<16x131072xf32, #tpu.memory_space<hbm>> -> memref<1x4096xf32, #tpu.memory_space<hbm>>
    %dma_start3A_264 = tpu.memref_slice %arg4[%add3A_258, %mul3A_75] : memref<16x131072xf32, #tpu.memory_space<hbm>> -> memref<1x4096xf32, #tpu.memory_space<hbm>>
    %dma_start3A_265 = arith.constant 320 : i32
    %dma_start3A_266 = arith.constant 0 : i32
    %dma_start3A_267 = tpu.memref_slice %arg6[%dma_start3A_265, %dma_start3A_266] : memref<512x128xf32, #tpu.memory_space<vmem>> -> memref<32x128xf32, #tpu.memory_space<vmem>>
    %dma_start3A_268 = tpu.memref_reshape %dma_start3A_267 : memref<32x128xf32, #tpu.memory_space<vmem>> -> memref<1x4096xf32, #tpu.memory_space<vmem>>
    tpu.enqueue_dma source(%dma_start3A_268 : memref<1x4096xf32, #tpu.memory_space<vmem>>) target(%dma_start3A_264 : memref<1x4096xf32, #tpu.memory_space<hbm>>) target_semaphore(%arg8 : memref<!tpu.dma_semaphore, #tpu.memory_space<semaphore_mem>>)
    %mul3A_269 = arith.constant 16 : i32
    %mul3A_270 = arith.muli %select_n3A, %mul3A_269 : i32
    %add3A_271 = arith.constant 11 : i32
    %add3A_272 = arith.addi %mul3A_270, %add3A_271 : i32
    %dma_start3A_273 = arith.constant 352 : i32
    %dma_start3A_274 = arith.constant 0 : i32
    %dma_start3A_275 = tpu.memref_slice %arg6[%dma_start3A_273, %dma_start3A_274] : memref<512x128xf32, #tpu.memory_space<vmem>> -> memref<32x128xf32, #tpu.memory_space<vmem>>
    %dma_start3A_276 = tpu.memref_reshape %dma_start3A_275 : memref<32x128xf32, #tpu.memory_space<vmem>> -> memref<1x4096xf32, #tpu.memory_space<vmem>>
    %dma_start3A_277 = tpu.memref_slice %arg4[%add3A_272, %mul3A_75] : memref<16x131072xf32, #tpu.memory_space<hbm>> -> memref<1x4096xf32, #tpu.memory_space<hbm>>
    %dma_start3A_278 = tpu.memref_slice %arg4[%add3A_272, %mul3A_75] : memref<16x131072xf32, #tpu.memory_space<hbm>> -> memref<1x4096xf32, #tpu.memory_space<hbm>>
    %dma_start3A_279 = arith.constant 352 : i32
    %dma_start3A_280 = arith.constant 0 : i32
    %dma_start3A_281 = tpu.memref_slice %arg6[%dma_start3A_279, %dma_start3A_280] : memref<512x128xf32, #tpu.memory_space<vmem>> -> memref<32x128xf32, #tpu.memory_space<vmem>>
    %dma_start3A_282 = tpu.memref_reshape %dma_start3A_281 : memref<32x128xf32, #tpu.memory_space<vmem>> -> memref<1x4096xf32, #tpu.memory_space<vmem>>
    tpu.enqueue_dma source(%dma_start3A_282 : memref<1x4096xf32, #tpu.memory_space<vmem>>) target(%dma_start3A_278 : memref<1x4096xf32, #tpu.memory_space<hbm>>) target_semaphore(%arg8 : memref<!tpu.dma_semaphore, #tpu.memory_space<semaphore_mem>>)
    %mul3A_283 = arith.constant 16 : i32
    %mul3A_284 = arith.muli %select_n3A, %mul3A_283 : i32
    %add3A_285 = arith.constant 12 : i32
    %add3A_286 = arith.addi %mul3A_284, %add3A_285 : i32
    %dma_start3A_287 = arith.constant 384 : i32
    %dma_start3A_288 = arith.constant 0 : i32
    %dma_start3A_289 = tpu.memref_slice %arg6[%dma_start3A_287, %dma_start3A_288] : memref<512x128xf32, #tpu.memory_space<vmem>> -> memref<32x128xf32, #tpu.memory_space<vmem>>
    %dma_start3A_290 = tpu.memref_reshape %dma_start3A_289 : memref<32x128xf32, #tpu.memory_space<vmem>> -> memref<1x4096xf32, #tpu.memory_space<vmem>>
    %dma_start3A_291 = tpu.memref_slice %arg4[%add3A_286, %mul3A_75] : memref<16x131072xf32, #tpu.memory_space<hbm>> -> memref<1x4096xf32, #tpu.memory_space<hbm>>
    %dma_start3A_292 = tpu.memref_slice %arg4[%add3A_286, %mul3A_75] : memref<16x131072xf32, #tpu.memory_space<hbm>> -> memref<1x4096xf32, #tpu.memory_space<hbm>>
    %dma_start3A_293 = arith.constant 384 : i32
    %dma_start3A_294 = arith.constant 0 : i32
    %dma_start3A_295 = tpu.memref_slice %arg6[%dma_start3A_293, %dma_start3A_294] : memref<512x128xf32, #tpu.memory_space<vmem>> -> memref<32x128xf32, #tpu.memory_space<vmem>>
    %dma_start3A_296 = tpu.memref_reshape %dma_start3A_295 : memref<32x128xf32, #tpu.memory_space<vmem>> -> memref<1x4096xf32, #tpu.memory_space<vmem>>
    tpu.enqueue_dma source(%dma_start3A_296 : memref<1x4096xf32, #tpu.memory_space<vmem>>) target(%dma_start3A_292 : memref<1x4096xf32, #tpu.memory_space<hbm>>) target_semaphore(%arg8 : memref<!tpu.dma_semaphore, #tpu.memory_space<semaphore_mem>>)
    %mul3A_297 = arith.constant 16 : i32
    %mul3A_298 = arith.muli %select_n3A, %mul3A_297 : i32
    %add3A_299 = arith.constant 13 : i32
    %add3A_300 = arith.addi %mul3A_298, %add3A_299 : i32
    %dma_start3A_301 = arith.constant 416 : i32
    %dma_start3A_302 = arith.constant 0 : i32
    %dma_start3A_303 = tpu.memref_slice %arg6[%dma_start3A_301, %dma_start3A_302] : memref<512x128xf32, #tpu.memory_space<vmem>> -> memref<32x128xf32, #tpu.memory_space<vmem>>
    %dma_start3A_304 = tpu.memref_reshape %dma_start3A_303 : memref<32x128xf32, #tpu.memory_space<vmem>> -> memref<1x4096xf32, #tpu.memory_space<vmem>>
    %dma_start3A_305 = tpu.memref_slice %arg4[%add3A_300, %mul3A_75] : memref<16x131072xf32, #tpu.memory_space<hbm>> -> memref<1x4096xf32, #tpu.memory_space<hbm>>
    %dma_start3A_306 = tpu.memref_slice %arg4[%add3A_300, %mul3A_75] : memref<16x131072xf32, #tpu.memory_space<hbm>> -> memref<1x4096xf32, #tpu.memory_space<hbm>>
    %dma_start3A_307 = arith.constant 416 : i32
    %dma_start3A_308 = arith.constant 0 : i32
    %dma_start3A_309 = tpu.memref_slice %arg6[%dma_start3A_307, %dma_start3A_308] : memref<512x128xf32, #tpu.memory_space<vmem>> -> memref<32x128xf32, #tpu.memory_space<vmem>>
    %dma_start3A_310 = tpu.memref_reshape %dma_start3A_309 : memref<32x128xf32, #tpu.memory_space<vmem>> -> memref<1x4096xf32, #tpu.memory_space<vmem>>
    tpu.enqueue_dma source(%dma_start3A_310 : memref<1x4096xf32, #tpu.memory_space<vmem>>) target(%dma_start3A_306 : memref<1x4096xf32, #tpu.memory_space<hbm>>) target_semaphore(%arg8 : memref<!tpu.dma_semaphore, #tpu.memory_space<semaphore_mem>>)
    %mul3A_311 = arith.constant 16 : i32
    %mul3A_312 = arith.muli %select_n3A, %mul3A_311 : i32
    %add3A_313 = arith.constant 14 : i32
    %add3A_314 = arith.addi %mul3A_312, %add3A_313 : i32
    %dma_start3A_315 = arith.constant 448 : i32
    %dma_start3A_316 = arith.constant 0 : i32
    %dma_start3A_317 = tpu.memref_slice %arg6[%dma_start3A_315, %dma_start3A_316] : memref<512x128xf32, #tpu.memory_space<vmem>> -> memref<32x128xf32, #tpu.memory_space<vmem>>
    %dma_start3A_318 = tpu.memref_reshape %dma_start3A_317 : memref<32x128xf32, #tpu.memory_space<vmem>> -> memref<1x4096xf32, #tpu.memory_space<vmem>>
    %dma_start3A_319 = tpu.memref_slice %arg4[%add3A_314, %mul3A_75] : memref<16x131072xf32, #tpu.memory_space<hbm>> -> memref<1x4096xf32, #tpu.memory_space<hbm>>
    %dma_start3A_320 = tpu.memref_slice %arg4[%add3A_314, %mul3A_75] : memref<16x131072xf32, #tpu.memory_space<hbm>> -> memref<1x4096xf32, #tpu.memory_space<hbm>>
    %dma_start3A_321 = arith.constant 448 : i32
    %dma_start3A_322 = arith.constant 0 : i32
    %dma_start3A_323 = tpu.memref_slice %arg6[%dma_start3A_321, %dma_start3A_322] : memref<512x128xf32, #tpu.memory_space<vmem>> -> memref<32x128xf32, #tpu.memory_space<vmem>>
    %dma_start3A_324 = tpu.memref_reshape %dma_start3A_323 : memref<32x128xf32, #tpu.memory_space<vmem>> -> memref<1x4096xf32, #tpu.memory_space<vmem>>
    tpu.enqueue_dma source(%dma_start3A_324 : memref<1x4096xf32, #tpu.memory_space<vmem>>) target(%dma_start3A_320 : memref<1x4096xf32, #tpu.memory_space<hbm>>) target_semaphore(%arg8 : memref<!tpu.dma_semaphore, #tpu.memory_space<semaphore_mem>>)
    %mul3A_325 = arith.constant 16 : i32
    %mul3A_326 = arith.muli %select_n3A, %mul3A_325 : i32
    %add3A_327 = arith.constant 15 : i32
    %add3A_328 = arith.addi %mul3A_326, %add3A_327 : i32
    %dma_start3A_329 = arith.constant 480 : i32
    %dma_start3A_330 = arith.constant 0 : i32
    %dma_start3A_331 = tpu.memref_slice %arg6[%dma_start3A_329, %dma_start3A_330] : memref<512x128xf32, #tpu.memory_space<vmem>> -> memref<32x128xf32, #tpu.memory_space<vmem>>
    %dma_start3A_332 = tpu.memref_reshape %dma_start3A_331 : memref<32x128xf32, #tpu.memory_space<vmem>> -> memref<1x4096xf32, #tpu.memory_space<vmem>>
    %dma_start3A_333 = tpu.memref_slice %arg4[%add3A_328, %mul3A_75] : memref<16x131072xf32, #tpu.memory_space<hbm>> -> memref<1x4096xf32, #tpu.memory_space<hbm>>
    %dma_start3A_334 = tpu.memref_slice %arg4[%add3A_328, %mul3A_75] : memref<16x131072xf32, #tpu.memory_space<hbm>> -> memref<1x4096xf32, #tpu.memory_space<hbm>>
    %dma_start3A_335 = arith.constant 480 : i32
    %dma_start3A_336 = arith.constant 0 : i32
    %dma_start3A_337 = tpu.memref_slice %arg6[%dma_start3A_335, %dma_start3A_336] : memref<512x128xf32, #tpu.memory_space<vmem>> -> memref<32x128xf32, #tpu.memory_space<vmem>>
    %dma_start3A_338 = tpu.memref_reshape %dma_start3A_337 : memref<32x128xf32, #tpu.memory_space<vmem>> -> memref<1x4096xf32, #tpu.memory_space<vmem>>
    tpu.enqueue_dma source(%dma_start3A_338 : memref<1x4096xf32, #tpu.memory_space<vmem>>) target(%dma_start3A_334 : memref<1x4096xf32, #tpu.memory_space<hbm>>) target_semaphore(%arg8 : memref<!tpu.dma_semaphore, #tpu.memory_space<semaphore_mem>>)
    %dma_wait3A_339 = arith.constant 0 : i32
    %dma_wait3A_340 = arith.constant 0 : i32
    %dma_wait3A_341 = tpu.memref_slice %arg6[%dma_wait3A_339, %dma_wait3A_340] : memref<512x128xf32, #tpu.memory_space<vmem>> -> memref<32x128xf32, #tpu.memory_space<vmem>>
    %dma_wait3A_342 = tpu.memref_reshape %dma_wait3A_341 : memref<32x128xf32, #tpu.memory_space<vmem>> -> memref<1x4096xf32, #tpu.memory_space<vmem>>
    %dma_wait3A_343 = tpu.memref_slice %arg4[%add3A_98, %mul3A_75] : memref<16x131072xf32, #tpu.memory_space<hbm>> -> memref<1x4096xf32, #tpu.memory_space<hbm>>
    %dma_wait3A_344 = tpu.memref_slice %arg4[%add3A_98, %mul3A_75] : memref<16x131072xf32, #tpu.memory_space<hbm>> -> memref<1x4096xf32, #tpu.memory_space<hbm>>
    %dma_wait3A_345 = arith.constant 0 : i32
    %dma_wait3A_346 = arith.constant 0 : i32
    %dma_wait3A_347 = tpu.memref_slice %arg6[%dma_wait3A_345, %dma_wait3A_346] : memref<512x128xf32, #tpu.memory_space<vmem>> -> memref<32x128xf32, #tpu.memory_space<vmem>>
    %dma_wait3A_348 = tpu.memref_reshape %dma_wait3A_347 : memref<32x128xf32, #tpu.memory_space<vmem>> -> memref<1x4096xf32, #tpu.memory_space<vmem>>
    tpu.wait_dma2 semaphore(%arg8 : memref<!tpu.dma_semaphore, #tpu.memory_space<semaphore_mem>>) src(%dma_wait3A_348 : memref<1x4096xf32, #tpu.memory_space<vmem>>) dst(%dma_wait3A_344 : memref<1x4096xf32, #tpu.memory_space<hbm>>)
    %dma_wait3A_349 = arith.constant 32 : i32
    %dma_wait3A_350 = arith.constant 0 : i32
    %dma_wait3A_351 = tpu.memref_slice %arg6[%dma_wait3A_349, %dma_wait3A_350] : memref<512x128xf32, #tpu.memory_space<vmem>> -> memref<32x128xf32, #tpu.memory_space<vmem>>
    %dma_wait3A_352 = tpu.memref_reshape %dma_wait3A_351 : memref<32x128xf32, #tpu.memory_space<vmem>> -> memref<1x4096xf32, #tpu.memory_space<vmem>>
    %dma_wait3A_353 = tpu.memref_slice %arg4[%add3A_112, %mul3A_75] : memref<16x131072xf32, #tpu.memory_space<hbm>> -> memref<1x4096xf32, #tpu.memory_space<hbm>>
    %dma_wait3A_354 = tpu.memref_slice %arg4[%add3A_112, %mul3A_75] : memref<16x131072xf32, #tpu.memory_space<hbm>> -> memref<1x4096xf32, #tpu.memory_space<hbm>>
    %dma_wait3A_355 = arith.constant 32 : i32
    %dma_wait3A_356 = arith.constant 0 : i32
    %dma_wait3A_357 = tpu.memref_slice %arg6[%dma_wait3A_355, %dma_wait3A_356] : memref<512x128xf32, #tpu.memory_space<vmem>> -> memref<32x128xf32, #tpu.memory_space<vmem>>
    %dma_wait3A_358 = tpu.memref_reshape %dma_wait3A_357 : memref<32x128xf32, #tpu.memory_space<vmem>> -> memref<1x4096xf32, #tpu.memory_space<vmem>>
    tpu.wait_dma2 semaphore(%arg8 : memref<!tpu.dma_semaphore, #tpu.memory_space<semaphore_mem>>) src(%dma_wait3A_358 : memref<1x4096xf32, #tpu.memory_space<vmem>>) dst(%dma_wait3A_354 : memref<1x4096xf32, #tpu.memory_space<hbm>>)
    %dma_wait3A_359 = arith.constant 64 : i32
    %dma_wait3A_360 = arith.constant 0 : i32
    %dma_wait3A_361 = tpu.memref_slice %arg6[%dma_wait3A_359, %dma_wait3A_360] : memref<512x128xf32, #tpu.memory_space<vmem>> -> memref<32x128xf32, #tpu.memory_space<vmem>>
    %dma_wait3A_362 = tpu.memref_reshape %dma_wait3A_361 : memref<32x128xf32, #tpu.memory_space<vmem>> -> memref<1x4096xf32, #tpu.memory_space<vmem>>
    %dma_wait3A_363 = tpu.memref_slice %arg4[%add3A_126, %mul3A_75] : memref<16x131072xf32, #tpu.memory_space<hbm>> -> memref<1x4096xf32, #tpu.memory_space<hbm>>
    %dma_wait3A_364 = tpu.memref_slice %arg4[%add3A_126, %mul3A_75] : memref<16x131072xf32, #tpu.memory_space<hbm>> -> memref<1x4096xf32, #tpu.memory_space<hbm>>
    %dma_wait3A_365 = arith.constant 64 : i32
    %dma_wait3A_366 = arith.constant 0 : i32
    %dma_wait3A_367 = tpu.memref_slice %arg6[%dma_wait3A_365, %dma_wait3A_366] : memref<512x128xf32, #tpu.memory_space<vmem>> -> memref<32x128xf32, #tpu.memory_space<vmem>>
    %dma_wait3A_368 = tpu.memref_reshape %dma_wait3A_367 : memref<32x128xf32, #tpu.memory_space<vmem>> -> memref<1x4096xf32, #tpu.memory_space<vmem>>
    tpu.wait_dma2 semaphore(%arg8 : memref<!tpu.dma_semaphore, #tpu.memory_space<semaphore_mem>>) src(%dma_wait3A_368 : memref<1x4096xf32, #tpu.memory_space<vmem>>) dst(%dma_wait3A_364 : memref<1x4096xf32, #tpu.memory_space<hbm>>)
    %dma_wait3A_369 = arith.constant 96 : i32
    %dma_wait3A_370 = arith.constant 0 : i32
    %dma_wait3A_371 = tpu.memref_slice %arg6[%dma_wait3A_369, %dma_wait3A_370] : memref<512x128xf32, #tpu.memory_space<vmem>> -> memref<32x128xf32, #tpu.memory_space<vmem>>
    %dma_wait3A_372 = tpu.memref_reshape %dma_wait3A_371 : memref<32x128xf32, #tpu.memory_space<vmem>> -> memref<1x4096xf32, #tpu.memory_space<vmem>>
    %dma_wait3A_373 = tpu.memref_slice %arg4[%add3A_140, %mul3A_75] : memref<16x131072xf32, #tpu.memory_space<hbm>> -> memref<1x4096xf32, #tpu.memory_space<hbm>>
    %dma_wait3A_374 = tpu.memref_slice %arg4[%add3A_140, %mul3A_75] : memref<16x131072xf32, #tpu.memory_space<hbm>> -> memref<1x4096xf32, #tpu.memory_space<hbm>>
    %dma_wait3A_375 = arith.constant 96 : i32
    %dma_wait3A_376 = arith.constant 0 : i32
    %dma_wait3A_377 = tpu.memref_slice %arg6[%dma_wait3A_375, %dma_wait3A_376] : memref<512x128xf32, #tpu.memory_space<vmem>> -> memref<32x128xf32, #tpu.memory_space<vmem>>
    %dma_wait3A_378 = tpu.memref_reshape %dma_wait3A_377 : memref<32x128xf32, #tpu.memory_space<vmem>> -> memref<1x4096xf32, #tpu.memory_space<vmem>>
    tpu.wait_dma2 semaphore(%arg8 : memref<!tpu.dma_semaphore, #tpu.memory_space<semaphore_mem>>) src(%dma_wait3A_378 : memref<1x4096xf32, #tpu.memory_space<vmem>>) dst(%dma_wait3A_374 : memref<1x4096xf32, #tpu.memory_space<hbm>>)
    %dma_wait3A_379 = arith.constant 128 : i32
    %dma_wait3A_380 = arith.constant 0 : i32
    %dma_wait3A_381 = tpu.memref_slice %arg6[%dma_wait3A_379, %dma_wait3A_380] : memref<512x128xf32, #tpu.memory_space<vmem>> -> memref<32x128xf32, #tpu.memory_space<vmem>>
    %dma_wait3A_382 = tpu.memref_reshape %dma_wait3A_381 : memref<32x128xf32, #tpu.memory_space<vmem>> -> memref<1x4096xf32, #tpu.memory_space<vmem>>
    %dma_wait3A_383 = tpu.memref_slice %arg4[%add3A_154, %mul3A_75] : memref<16x131072xf32, #tpu.memory_space<hbm>> -> memref<1x4096xf32, #tpu.memory_space<hbm>>
    %dma_wait3A_384 = tpu.memref_slice %arg4[%add3A_154, %mul3A_75] : memref<16x131072xf32, #tpu.memory_space<hbm>> -> memref<1x4096xf32, #tpu.memory_space<hbm>>
    %dma_wait3A_385 = arith.constant 128 : i32
    %dma_wait3A_386 = arith.constant 0 : i32
    %dma_wait3A_387 = tpu.memref_slice %arg6[%dma_wait3A_385, %dma_wait3A_386] : memref<512x128xf32, #tpu.memory_space<vmem>> -> memref<32x128xf32, #tpu.memory_space<vmem>>
    %dma_wait3A_388 = tpu.memref_reshape %dma_wait3A_387 : memref<32x128xf32, #tpu.memory_space<vmem>> -> memref<1x4096xf32, #tpu.memory_space<vmem>>
    tpu.wait_dma2 semaphore(%arg8 : memref<!tpu.dma_semaphore, #tpu.memory_space<semaphore_mem>>) src(%dma_wait3A_388 : memref<1x4096xf32, #tpu.memory_space<vmem>>) dst(%dma_wait3A_384 : memref<1x4096xf32, #tpu.memory_space<hbm>>)
    %dma_wait3A_389 = arith.constant 160 : i32
    %dma_wait3A_390 = arith.constant 0 : i32
    %dma_wait3A_391 = tpu.memref_slice %arg6[%dma_wait3A_389, %dma_wait3A_390] : memref<512x128xf32, #tpu.memory_space<vmem>> -> memref<32x128xf32, #tpu.memory_space<vmem>>
    %dma_wait3A_392 = tpu.memref_reshape %dma_wait3A_391 : memref<32x128xf32, #tpu.memory_space<vmem>> -> memref<1x4096xf32, #tpu.memory_space<vmem>>
    %dma_wait3A_393 = tpu.memref_slice %arg4[%add3A_168, %mul3A_75] : memref<16x131072xf32, #tpu.memory_space<hbm>> -> memref<1x4096xf32, #tpu.memory_space<hbm>>
    %dma_wait3A_394 = tpu.memref_slice %arg4[%add3A_168, %mul3A_75] : memref<16x131072xf32, #tpu.memory_space<hbm>> -> memref<1x4096xf32, #tpu.memory_space<hbm>>
    %dma_wait3A_395 = arith.constant 160 : i32
    %dma_wait3A_396 = arith.constant 0 : i32
    %dma_wait3A_397 = tpu.memref_slice %arg6[%dma_wait3A_395, %dma_wait3A_396] : memref<512x128xf32, #tpu.memory_space<vmem>> -> memref<32x128xf32, #tpu.memory_space<vmem>>
    %dma_wait3A_398 = tpu.memref_reshape %dma_wait3A_397 : memref<32x128xf32, #tpu.memory_space<vmem>> -> memref<1x4096xf32, #tpu.memory_space<vmem>>
    tpu.wait_dma2 semaphore(%arg8 : memref<!tpu.dma_semaphore, #tpu.memory_space<semaphore_mem>>) src(%dma_wait3A_398 : memref<1x4096xf32, #tpu.memory_space<vmem>>) dst(%dma_wait3A_394 : memref<1x4096xf32, #tpu.memory_space<hbm>>)
    %dma_wait3A_399 = arith.constant 192 : i32
    %dma_wait3A_400 = arith.constant 0 : i32
    %dma_wait3A_401 = tpu.memref_slice %arg6[%dma_wait3A_399, %dma_wait3A_400] : memref<512x128xf32, #tpu.memory_space<vmem>> -> memref<32x128xf32, #tpu.memory_space<vmem>>
    %dma_wait3A_402 = tpu.memref_reshape %dma_wait3A_401 : memref<32x128xf32, #tpu.memory_space<vmem>> -> memref<1x4096xf32, #tpu.memory_space<vmem>>
    %dma_wait3A_403 = tpu.memref_slice %arg4[%add3A_182, %mul3A_75] : memref<16x131072xf32, #tpu.memory_space<hbm>> -> memref<1x4096xf32, #tpu.memory_space<hbm>>
    %dma_wait3A_404 = tpu.memref_slice %arg4[%add3A_182, %mul3A_75] : memref<16x131072xf32, #tpu.memory_space<hbm>> -> memref<1x4096xf32, #tpu.memory_space<hbm>>
    %dma_wait3A_405 = arith.constant 192 : i32
    %dma_wait3A_406 = arith.constant 0 : i32
    %dma_wait3A_407 = tpu.memref_slice %arg6[%dma_wait3A_405, %dma_wait3A_406] : memref<512x128xf32, #tpu.memory_space<vmem>> -> memref<32x128xf32, #tpu.memory_space<vmem>>
    %dma_wait3A_408 = tpu.memref_reshape %dma_wait3A_407 : memref<32x128xf32, #tpu.memory_space<vmem>> -> memref<1x4096xf32, #tpu.memory_space<vmem>>
    tpu.wait_dma2 semaphore(%arg8 : memref<!tpu.dma_semaphore, #tpu.memory_space<semaphore_mem>>) src(%dma_wait3A_408 : memref<1x4096xf32, #tpu.memory_space<vmem>>) dst(%dma_wait3A_404 : memref<1x4096xf32, #tpu.memory_space<hbm>>)
    %dma_wait3A_409 = arith.constant 224 : i32
    %dma_wait3A_410 = arith.constant 0 : i32
    %dma_wait3A_411 = tpu.memref_slice %arg6[%dma_wait3A_409, %dma_wait3A_410] : memref<512x128xf32, #tpu.memory_space<vmem>> -> memref<32x128xf32, #tpu.memory_space<vmem>>
    %dma_wait3A_412 = tpu.memref_reshape %dma_wait3A_411 : memref<32x128xf32, #tpu.memory_space<vmem>> -> memref<1x4096xf32, #tpu.memory_space<vmem>>
    %dma_wait3A_413 = tpu.memref_slice %arg4[%add3A_196, %mul3A_75] : memref<16x131072xf32, #tpu.memory_space<hbm>> -> memref<1x4096xf32, #tpu.memory_space<hbm>>
    %dma_wait3A_414 = tpu.memref_slice %arg4[%add3A_196, %mul3A_75] : memref<16x131072xf32, #tpu.memory_space<hbm>> -> memref<1x4096xf32, #tpu.memory_space<hbm>>
    %dma_wait3A_415 = arith.constant 224 : i32
    %dma_wait3A_416 = arith.constant 0 : i32
    %dma_wait3A_417 = tpu.memref_slice %arg6[%dma_wait3A_415, %dma_wait3A_416] : memref<512x128xf32, #tpu.memory_space<vmem>> -> memref<32x128xf32, #tpu.memory_space<vmem>>
    %dma_wait3A_418 = tpu.memref_reshape %dma_wait3A_417 : memref<32x128xf32, #tpu.memory_space<vmem>> -> memref<1x4096xf32, #tpu.memory_space<vmem>>
    tpu.wait_dma2 semaphore(%arg8 : memref<!tpu.dma_semaphore, #tpu.memory_space<semaphore_mem>>) src(%dma_wait3A_418 : memref<1x4096xf32, #tpu.memory_space<vmem>>) dst(%dma_wait3A_414 : memref<1x4096xf32, #tpu.memory_space<hbm>>)
    %dma_wait3A_419 = arith.constant 256 : i32
    %dma_wait3A_420 = arith.constant 0 : i32
    %dma_wait3A_421 = tpu.memref_slice %arg6[%dma_wait3A_419, %dma_wait3A_420] : memref<512x128xf32, #tpu.memory_space<vmem>> -> memref<32x128xf32, #tpu.memory_space<vmem>>
    %dma_wait3A_422 = tpu.memref_reshape %dma_wait3A_421 : memref<32x128xf32, #tpu.memory_space<vmem>> -> memref<1x4096xf32, #tpu.memory_space<vmem>>
    %dma_wait3A_423 = tpu.memref_slice %arg4[%add3A_230, %mul3A_75] : memref<16x131072xf32, #tpu.memory_space<hbm>> -> memref<1x4096xf32, #tpu.memory_space<hbm>>
    %dma_wait3A_424 = tpu.memref_slice %arg4[%add3A_230, %mul3A_75] : memref<16x131072xf32, #tpu.memory_space<hbm>> -> memref<1x4096xf32, #tpu.memory_space<hbm>>
    %dma_wait3A_425 = arith.constant 256 : i32
    %dma_wait3A_426 = arith.constant 0 : i32
    %dma_wait3A_427 = tpu.memref_slice %arg6[%dma_wait3A_425, %dma_wait3A_426] : memref<512x128xf32, #tpu.memory_space<vmem>> -> memref<32x128xf32, #tpu.memory_space<vmem>>
    %dma_wait3A_428 = tpu.memref_reshape %dma_wait3A_427 : memref<32x128xf32, #tpu.memory_space<vmem>> -> memref<1x4096xf32, #tpu.memory_space<vmem>>
    tpu.wait_dma2 semaphore(%arg8 : memref<!tpu.dma_semaphore, #tpu.memory_space<semaphore_mem>>) src(%dma_wait3A_428 : memref<1x4096xf32, #tpu.memory_space<vmem>>) dst(%dma_wait3A_424 : memref<1x4096xf32, #tpu.memory_space<hbm>>)
    %dma_wait3A_429 = arith.constant 288 : i32
    %dma_wait3A_430 = arith.constant 0 : i32
    %dma_wait3A_431 = tpu.memref_slice %arg6[%dma_wait3A_429, %dma_wait3A_430] : memref<512x128xf32, #tpu.memory_space<vmem>> -> memref<32x128xf32, #tpu.memory_space<vmem>>
    %dma_wait3A_432 = tpu.memref_reshape %dma_wait3A_431 : memref<32x128xf32, #tpu.memory_space<vmem>> -> memref<1x4096xf32, #tpu.memory_space<vmem>>
    %dma_wait3A_433 = tpu.memref_slice %arg4[%add3A_244, %mul3A_75] : memref<16x131072xf32, #tpu.memory_space<hbm>> -> memref<1x4096xf32, #tpu.memory_space<hbm>>
    %dma_wait3A_434 = tpu.memref_slice %arg4[%add3A_244, %mul3A_75] : memref<16x131072xf32, #tpu.memory_space<hbm>> -> memref<1x4096xf32, #tpu.memory_space<hbm>>
    %dma_wait3A_435 = arith.constant 288 : i32
    %dma_wait3A_436 = arith.constant 0 : i32
    %dma_wait3A_437 = tpu.memref_slice %arg6[%dma_wait3A_435, %dma_wait3A_436] : memref<512x128xf32, #tpu.memory_space<vmem>> -> memref<32x128xf32, #tpu.memory_space<vmem>>
    %dma_wait3A_438 = tpu.memref_reshape %dma_wait3A_437 : memref<32x128xf32, #tpu.memory_space<vmem>> -> memref<1x4096xf32, #tpu.memory_space<vmem>>
    tpu.wait_dma2 semaphore(%arg8 : memref<!tpu.dma_semaphore, #tpu.memory_space<semaphore_mem>>) src(%dma_wait3A_438 : memref<1x4096xf32, #tpu.memory_space<vmem>>) dst(%dma_wait3A_434 : memref<1x4096xf32, #tpu.memory_space<hbm>>)
    %dma_wait3A_439 = arith.constant 320 : i32
    %dma_wait3A_440 = arith.constant 0 : i32
    %dma_wait3A_441 = tpu.memref_slice %arg6[%dma_wait3A_439, %dma_wait3A_440] : memref<512x128xf32, #tpu.memory_space<vmem>> -> memref<32x128xf32, #tpu.memory_space<vmem>>
    %dma_wait3A_442 = tpu.memref_reshape %dma_wait3A_441 : memref<32x128xf32, #tpu.memory_space<vmem>> -> memref<1x4096xf32, #tpu.memory_space<vmem>>
    %dma_wait3A_443 = tpu.memref_slice %arg4[%add3A_258, %mul3A_75] : memref<16x131072xf32, #tpu.memory_space<hbm>> -> memref<1x4096xf32, #tpu.memory_space<hbm>>
    %dma_wait3A_444 = tpu.memref_slice %arg4[%add3A_258, %mul3A_75] : memref<16x131072xf32, #tpu.memory_space<hbm>> -> memref<1x4096xf32, #tpu.memory_space<hbm>>
    %dma_wait3A_445 = arith.constant 320 : i32
    %dma_wait3A_446 = arith.constant 0 : i32
    %dma_wait3A_447 = tpu.memref_slice %arg6[%dma_wait3A_445, %dma_wait3A_446] : memref<512x128xf32, #tpu.memory_space<vmem>> -> memref<32x128xf32, #tpu.memory_space<vmem>>
    %dma_wait3A_448 = tpu.memref_reshape %dma_wait3A_447 : memref<32x128xf32, #tpu.memory_space<vmem>> -> memref<1x4096xf32, #tpu.memory_space<vmem>>
    tpu.wait_dma2 semaphore(%arg8 : memref<!tpu.dma_semaphore, #tpu.memory_space<semaphore_mem>>) src(%dma_wait3A_448 : memref<1x4096xf32, #tpu.memory_space<vmem>>) dst(%dma_wait3A_444 : memref<1x4096xf32, #tpu.memory_space<hbm>>)
    %dma_wait3A_449 = arith.constant 352 : i32
    %dma_wait3A_450 = arith.constant 0 : i32
    %dma_wait3A_451 = tpu.memref_slice %arg6[%dma_wait3A_449, %dma_wait3A_450] : memref<512x128xf32, #tpu.memory_space<vmem>> -> memref<32x128xf32, #tpu.memory_space<vmem>>
    %dma_wait3A_452 = tpu.memref_reshape %dma_wait3A_451 : memref<32x128xf32, #tpu.memory_space<vmem>> -> memref<1x4096xf32, #tpu.memory_space<vmem>>
    %dma_wait3A_453 = tpu.memref_slice %arg4[%add3A_272, %mul3A_75] : memref<16x131072xf32, #tpu.memory_space<hbm>> -> memref<1x4096xf32, #tpu.memory_space<hbm>>
    %dma_wait3A_454 = tpu.memref_slice %arg4[%add3A_272, %mul3A_75] : memref<16x131072xf32, #tpu.memory_space<hbm>> -> memref<1x4096xf32, #tpu.memory_space<hbm>>
    %dma_wait3A_455 = arith.constant 352 : i32
    %dma_wait3A_456 = arith.constant 0 : i32
    %dma_wait3A_457 = tpu.memref_slice %arg6[%dma_wait3A_455, %dma_wait3A_456] : memref<512x128xf32, #tpu.memory_space<vmem>> -> memref<32x128xf32, #tpu.memory_space<vmem>>
    %dma_wait3A_458 = tpu.memref_reshape %dma_wait3A_457 : memref<32x128xf32, #tpu.memory_space<vmem>> -> memref<1x4096xf32, #tpu.memory_space<vmem>>
    tpu.wait_dma2 semaphore(%arg8 : memref<!tpu.dma_semaphore, #tpu.memory_space<semaphore_mem>>) src(%dma_wait3A_458 : memref<1x4096xf32, #tpu.memory_space<vmem>>) dst(%dma_wait3A_454 : memref<1x4096xf32, #tpu.memory_space<hbm>>)
    %dma_wait3A_459 = arith.constant 384 : i32
    %dma_wait3A_460 = arith.constant 0 : i32
    %dma_wait3A_461 = tpu.memref_slice %arg6[%dma_wait3A_459, %dma_wait3A_460] : memref<512x128xf32, #tpu.memory_space<vmem>> -> memref<32x128xf32, #tpu.memory_space<vmem>>
    %dma_wait3A_462 = tpu.memref_reshape %dma_wait3A_461 : memref<32x128xf32, #tpu.memory_space<vmem>> -> memref<1x4096xf32, #tpu.memory_space<vmem>>
    %dma_wait3A_463 = tpu.memref_slice %arg4[%add3A_286, %mul3A_75] : memref<16x131072xf32, #tpu.memory_space<hbm>> -> memref<1x4096xf32, #tpu.memory_space<hbm>>
    %dma_wait3A_464 = tpu.memref_slice %arg4[%add3A_286, %mul3A_75] : memref<16x131072xf32, #tpu.memory_space<hbm>> -> memref<1x4096xf32, #tpu.memory_space<hbm>>
    %dma_wait3A_465 = arith.constant 384 : i32
    %dma_wait3A_466 = arith.constant 0 : i32
    %dma_wait3A_467 = tpu.memref_slice %arg6[%dma_wait3A_465, %dma_wait3A_466] : memref<512x128xf32, #tpu.memory_space<vmem>> -> memref<32x128xf32, #tpu.memory_space<vmem>>
    %dma_wait3A_468 = tpu.memref_reshape %dma_wait3A_467 : memref<32x128xf32, #tpu.memory_space<vmem>> -> memref<1x4096xf32, #tpu.memory_space<vmem>>
    tpu.wait_dma2 semaphore(%arg8 : memref<!tpu.dma_semaphore, #tpu.memory_space<semaphore_mem>>) src(%dma_wait3A_468 : memref<1x4096xf32, #tpu.memory_space<vmem>>) dst(%dma_wait3A_464 : memref<1x4096xf32, #tpu.memory_space<hbm>>)
    %dma_wait3A_469 = arith.constant 416 : i32
    %dma_wait3A_470 = arith.constant 0 : i32
    %dma_wait3A_471 = tpu.memref_slice %arg6[%dma_wait3A_469, %dma_wait3A_470] : memref<512x128xf32, #tpu.memory_space<vmem>> -> memref<32x128xf32, #tpu.memory_space<vmem>>
    %dma_wait3A_472 = tpu.memref_reshape %dma_wait3A_471 : memref<32x128xf32, #tpu.memory_space<vmem>> -> memref<1x4096xf32, #tpu.memory_space<vmem>>
    %dma_wait3A_473 = tpu.memref_slice %arg4[%add3A_300, %mul3A_75] : memref<16x131072xf32, #tpu.memory_space<hbm>> -> memref<1x4096xf32, #tpu.memory_space<hbm>>
    %dma_wait3A_474 = tpu.memref_slice %arg4[%add3A_300, %mul3A_75] : memref<16x131072xf32, #tpu.memory_space<hbm>> -> memref<1x4096xf32, #tpu.memory_space<hbm>>
    %dma_wait3A_475 = arith.constant 416 : i32
    %dma_wait3A_476 = arith.constant 0 : i32
    %dma_wait3A_477 = tpu.memref_slice %arg6[%dma_wait3A_475, %dma_wait3A_476] : memref<512x128xf32, #tpu.memory_space<vmem>> -> memref<32x128xf32, #tpu.memory_space<vmem>>
    %dma_wait3A_478 = tpu.memref_reshape %dma_wait3A_477 : memref<32x128xf32, #tpu.memory_space<vmem>> -> memref<1x4096xf32, #tpu.memory_space<vmem>>
    tpu.wait_dma2 semaphore(%arg8 : memref<!tpu.dma_semaphore, #tpu.memory_space<semaphore_mem>>) src(%dma_wait3A_478 : memref<1x4096xf32, #tpu.memory_space<vmem>>) dst(%dma_wait3A_474 : memref<1x4096xf32, #tpu.memory_space<hbm>>)
    %dma_wait3A_479 = arith.constant 448 : i32
    %dma_wait3A_480 = arith.constant 0 : i32
    %dma_wait3A_481 = tpu.memref_slice %arg6[%dma_wait3A_479, %dma_wait3A_480] : memref<512x128xf32, #tpu.memory_space<vmem>> -> memref<32x128xf32, #tpu.memory_space<vmem>>
    %dma_wait3A_482 = tpu.memref_reshape %dma_wait3A_481 : memref<32x128xf32, #tpu.memory_space<vmem>> -> memref<1x4096xf32, #tpu.memory_space<vmem>>
    %dma_wait3A_483 = tpu.memref_slice %arg4[%add3A_314, %mul3A_75] : memref<16x131072xf32, #tpu.memory_space<hbm>> -> memref<1x4096xf32, #tpu.memory_space<hbm>>
    %dma_wait3A_484 = tpu.memref_slice %arg4[%add3A_314, %mul3A_75] : memref<16x131072xf32, #tpu.memory_space<hbm>> -> memref<1x4096xf32, #tpu.memory_space<hbm>>
    %dma_wait3A_485 = arith.constant 448 : i32
    %dma_wait3A_486 = arith.constant 0 : i32
    %dma_wait3A_487 = tpu.memref_slice %arg6[%dma_wait3A_485, %dma_wait3A_486] : memref<512x128xf32, #tpu.memory_space<vmem>> -> memref<32x128xf32, #tpu.memory_space<vmem>>
    %dma_wait3A_488 = tpu.memref_reshape %dma_wait3A_487 : memref<32x128xf32, #tpu.memory_space<vmem>> -> memref<1x4096xf32, #tpu.memory_space<vmem>>
    tpu.wait_dma2 semaphore(%arg8 : memref<!tpu.dma_semaphore, #tpu.memory_space<semaphore_mem>>) src(%dma_wait3A_488 : memref<1x4096xf32, #tpu.memory_space<vmem>>) dst(%dma_wait3A_484 : memref<1x4096xf32, #tpu.memory_space<hbm>>)
    %dma_wait3A_489 = arith.constant 480 : i32
    %dma_wait3A_490 = arith.constant 0 : i32
    %dma_wait3A_491 = tpu.memref_slice %arg6[%dma_wait3A_489, %dma_wait3A_490] : memref<512x128xf32, #tpu.memory_space<vmem>> -> memref<32x128xf32, #tpu.memory_space<vmem>>
    %dma_wait3A_492 = tpu.memref_reshape %dma_wait3A_491 : memref<32x128xf32, #tpu.memory_space<vmem>> -> memref<1x4096xf32, #tpu.memory_space<vmem>>
    %dma_wait3A_493 = tpu.memref_slice %arg4[%add3A_328, %mul3A_75] : memref<16x131072xf32, #tpu.memory_space<hbm>> -> memref<1x4096xf32, #tpu.memory_space<hbm>>
    %dma_wait3A_494 = tpu.memref_slice %arg4[%add3A_328, %mul3A_75] : memref<16x131072xf32, #tpu.memory_space<hbm>> -> memref<1x4096xf32, #tpu.memory_space<hbm>>
    %dma_wait3A_495 = arith.constant 480 : i32
    %dma_wait3A_496 = arith.constant 0 : i32
    %dma_wait3A_497 = tpu.memref_slice %arg6[%dma_wait3A_495, %dma_wait3A_496] : memref<512x128xf32, #tpu.memory_space<vmem>> -> memref<32x128xf32, #tpu.memory_space<vmem>>
    %dma_wait3A_498 = tpu.memref_reshape %dma_wait3A_497 : memref<32x128xf32, #tpu.memory_space<vmem>> -> memref<1x4096xf32, #tpu.memory_space<vmem>>
    tpu.wait_dma2 semaphore(%arg8 : memref<!tpu.dma_semaphore, #tpu.memory_space<semaphore_mem>>) src(%dma_wait3A_498 : memref<1x4096xf32, #tpu.memory_space<vmem>>) dst(%dma_wait3A_494 : memref<1x4096xf32, #tpu.memory_space<hbm>>)
    return
  }
}

module attributes {stable_mosaic.version = 14 : i64} {
  func.func @_bn_body(%arg0: memref<1024x128xf32, #tpu.memory_space<vmem>>, %arg1: memref<1x128xf32, #tpu.memory_space<vmem>>, %arg2: memref<1x128xf32, #tpu.memory_space<vmem>>, %arg3: memref<1024x128xf32, #tpu.memory_space<vmem>>) attributes {dimension_semantics = [], scalar_prefetch = 0 : i64, scratch_operands = 0 : i64, tpu.core_type = #tpu.core_type<tc>} {
    %get3A = arith.constant 0 : index
    %get3A_0 = arith.constant 0 : index
    %get3A_1 = vector.load %arg0[%get3A, %get3A_0] : memref<1024x128xf32, #tpu.memory_space<vmem>>, vector<1024x128xf32>
    %reduce_sum3A = arith.constant dense<0.000000e+00> : vector<128xf32>
    %reduce_sum3A_2 = vector.multi_reduction <add>, %get3A_1, %reduce_sum3A [0] : vector<1024x128xf32> to vector<128xf32>
    %broadcast_in_dim3A = vector.shape_cast %reduce_sum3A_2 : vector<128xf32> to vector<1x128xf32>
    %div3A = arith.constant 1.024000e+03 : f32
    %div3A_3 = vector.broadcast %div3A : f32 to vector<1x128xf32>
    %div3A_4 = arith.divf %broadcast_in_dim3A, %div3A_3 : vector<1x128xf32>
    %sub3A = vector.broadcast %div3A_4 : vector<1x128xf32> to vector<1024x128xf32>
    %sub3A_5 = arith.subf %get3A_1, %sub3A : vector<1024x128xf32>
    %mul3A = arith.mulf %sub3A_5, %sub3A_5 : vector<1024x128xf32>
    %reduce_sum3A_6 = arith.constant dense<0.000000e+00> : vector<128xf32>
    %reduce_sum3A_7 = vector.multi_reduction <add>, %mul3A, %reduce_sum3A_6 [0] : vector<1024x128xf32> to vector<128xf32>
    %broadcast_in_dim3A_8 = vector.shape_cast %reduce_sum3A_7 : vector<128xf32> to vector<1x128xf32>
    %div3A_9 = arith.constant 1.024000e+03 : f32
    %div3A_10 = vector.broadcast %div3A_9 : f32 to vector<1x128xf32>
    %div3A_11 = arith.divf %broadcast_in_dim3A_8, %div3A_10 : vector<1x128xf32>
    %add3A = arith.constant 9.99999974E-6 : f32
    %add3A_12 = vector.broadcast %add3A : f32 to vector<1x128xf32>
    %add3A_13 = arith.addf %div3A_11, %add3A_12 : vector<1x128xf32>
    %rsqrt3A = math.rsqrt %add3A_13 : vector<1x128xf32>
    %get3A_14 = arith.constant 0 : index
    %get3A_15 = arith.constant 0 : index
    %get3A_16 = vector.load %arg1[%get3A_14, %get3A_15] : memref<1x128xf32, #tpu.memory_space<vmem>>, vector<1x128xf32>
    %mul3A_17 = arith.mulf %rsqrt3A, %get3A_16 : vector<1x128xf32>
    %mul3A_18 = vector.broadcast %mul3A_17 : vector<1x128xf32> to vector<1024x128xf32>
    %mul3A_19 = arith.mulf %sub3A_5, %mul3A_18 : vector<1024x128xf32>
    %get3A_20 = arith.constant 0 : index
    %get3A_21 = arith.constant 0 : index
    %get3A_22 = vector.load %arg2[%get3A_20, %get3A_21] : memref<1x128xf32, #tpu.memory_space<vmem>>, vector<1x128xf32>
    %add3A_23 = vector.broadcast %get3A_22 : vector<1x128xf32> to vector<1024x128xf32>
    %add3A_24 = arith.addf %mul3A_19, %add3A_23 : vector<1024x128xf32>
    %swap3A = arith.constant 0 : index
    %swap3A_25 = arith.constant 0 : index
    %swap3A_26 = vector.load %arg3[%swap3A, %swap3A_25] : memref<1024x128xf32, #tpu.memory_space<vmem>>, vector<1024x128xf32>
    tpu.vector_store %arg3[%swap3A, %swap3A_25], %add3A_24 {strides = array<i32>} : memref<1024x128xf32, #tpu.memory_space<vmem>>, vector<1024x128xf32>,
    return
  }
}

module attributes {stable_mosaic.version = 14 : i64} {
  func.func @_spectral_body(%arg0: i32, %arg1: memref<16x131072xf32, #tpu.memory_space<vmem>>, %arg2: memref<16x18xf32, #tpu.memory_space<vmem>>, %arg3: memref<18x1xf32, #tpu.memory_space<vmem>>, %arg4: memref<1x16xf32, #tpu.memory_space<vmem>>, %arg5: memref<1x131072xf32, #tpu.memory_space<vmem>>) attributes {dimension_semantics = [#tpu.dimension_semantics<arbitrary>], iteration_bounds = array<i64: 1>, scalar_prefetch = 0 : i64, scratch_operands = 0 : i64, tpu.core_type = #tpu.core_type<tc>, window_params = [{transform_indices = @transform_0, window_bounds = array<i64: 16, 131072>}, {pipeline_mode = #tpu.pipeline_mode<synchronous>, transform_indices = @transform_1, window_bounds = array<i64: 16, 18>}, {pipeline_mode = #tpu.pipeline_mode<synchronous>, transform_indices = @transform_2, window_bounds = array<i64: 18, 1>}, {pipeline_mode = #tpu.pipeline_mode<synchronous>, transform_indices = @transform_3, window_bounds = array<i64: 1, 16>}, {transform_indices = @transform_4, window_bounds = array<i64: 1, 131072>}]} {
    %get3A = arith.constant 0 : index
    %get3A_0 = arith.constant 0 : index
    %get3A_1 = vector.load %arg1[%get3A, %get3A_0] : memref<16x131072xf32, #tpu.memory_space<vmem>>, vector<16x131072xf32>
    %get3A_2 = arith.constant 0 : index
    %get3A_3 = arith.constant 0 : index
    %get3A_4 = vector.load %arg2[%get3A_2, %get3A_3] : memref<16x18xf32, #tpu.memory_space<vmem>>, vector<16x18xf32>
    %dot_general3A = arith.constant dense<0.000000e+00> : vector<18x131072xf32>
    %dot_general3A_5 = tpu.matmul %get3A_4, %get3A_1, %dot_general3A {dimension_numbers = #tpu.dot_dimension_numbers<[0], [0], [1], [1], [0, 1, 1, 1], [], []>, transpose_lhs_hint = false} : vector<16x18xf32>, vector<16x131072xf32>, vector<18x131072xf32> -> vector<18x131072xf32>
    %get3A_6 = arith.constant 0 : index
    %get3A_7 = arith.constant 0 : index
    %get3A_8 = vector.load %arg3[%get3A_6, %get3A_7] : memref<18x1xf32, #tpu.memory_space<vmem>>, vector<18x1xf32>
    %mul3A = vector.broadcast %get3A_8 : vector<18x1xf32> to vector<18x131072xf32>
    %mul3A_9 = arith.mulf %mul3A, %dot_general3A_5 : vector<18x131072xf32>
    %dot_general3A_10 = arith.constant dense<0.000000e+00> : vector<16x131072xf32>
    %dot_general3A_11 = tpu.matmul %get3A_4, %mul3A_9, %dot_general3A_10 {dimension_numbers = #tpu.dot_dimension_numbers<[1], [0], [0], [1], [0, 0, 1, 1], [], []>, transpose_lhs_hint = false} : vector<16x18xf32>, vector<18x131072xf32>, vector<16x131072xf32> -> vector<16x131072xf32>
    %get3A_12 = arith.constant 0 : index
    %get3A_13 = arith.constant 0 : index
    %get3A_14 = vector.load %arg4[%get3A_12, %get3A_13] : memref<1x16xf32, #tpu.memory_space<vmem>>, vector<1x16xf32>
    %dot_general3A_15 = arith.constant dense<0.000000e+00> : vector<1x131072xf32>
    %dot_general3A_16 = tpu.matmul %get3A_14, %dot_general3A_11, %dot_general3A_15 {dimension_numbers = #tpu.dot_dimension_numbers<[1], [0], [0], [1], [0, 0, 1, 1], [], []>, transpose_lhs_hint = false} : vector<1x16xf32>, vector<16x131072xf32>, vector<1x131072xf32> -> vector<1x131072xf32>
    %swap3A = arith.constant 0 : index
    %swap3A_17 = arith.constant 0 : index
    %swap3A_18 = vector.load %arg5[%swap3A, %swap3A_17] : memref<1x131072xf32, #tpu.memory_space<vmem>>, vector<1x131072xf32>
    tpu.vector_store %arg5[%swap3A, %swap3A_17], %dot_general3A_16 {strides = array<i32>} : memref<1x131072xf32, #tpu.memory_space<vmem>>, vector<1x131072xf32>,
    return
  }
  func.func @transform_0(%arg0: i32) -> (i32, i32) {
    %c0_i32 = arith.constant 0 : i32
    %c0_i32_0 = arith.constant 0 : i32
    return %arg0, %c0_i32 : i32, i32
  }
  func.func @transform_1(%arg0: i32) -> (i32, i32) {
    %c0_i32 = arith.constant 0 : i32
    %c0_i32_0 = arith.constant 0 : i32
    %c0_i32_1 = arith.constant 0 : i32
    return %c0_i32, %c0_i32_0 : i32, i32
  }
  func.func @transform_2(%arg0: i32) -> (i32, i32) {
    %c0_i32 = arith.constant 0 : i32
    %c0_i32_0 = arith.constant 0 : i32
    %c0_i32_1 = arith.constant 0 : i32
    return %c0_i32, %c0_i32_0 : i32, i32
  }
  func.func @transform_3(%arg0: i32) -> (i32, i32) {
    %c0_i32 = arith.constant 0 : i32
    %c0_i32_0 = arith.constant 0 : i32
    %c0_i32_1 = arith.constant 0 : i32
    return %c0_i32, %c0_i32_0 : i32, i32
  }
  func.func @transform_4(%arg0: i32) -> (i32, i32) {
    %c0_i32 = arith.constant 0 : i32
    %c0_i32_0 = arith.constant 0 : i32
    return %c0_i32, %arg0 : i32, i32
  }
}

</mosaic_0001>

<sc_bundles>
// kernel: kernel.5.cloned.1.call-start
scs
__scs_entry_jumppad:
0x0: {  	(pc) =	sbr.rel $0x88, $3  }
0x1: {  	(tag) =	ssettag $0x0;
	lr =	simm.s32 $0x1  }
0x2: {  	[smem:$0x3F9C] =	sst lr;
	_ =	strace $0xD0000000  }
0x3: {  	_ = 	snop  }
0x4: {  	_ = 	snop  }
0x5: {  	_ = 	snop  }
0x6: {  	_ = 	snop  }
0x7: {  	_ = 	snop  }
__scs_overlays_trampoline_lowered:
0x8: {  	[smem:$0x3FAB] =	sst s0  }
0x9: {  	[smem:$0x3FAC] =	sst s1  }
0xa: {  	[smem:$0x3FAD] =	sst s2  }
0xb: {  	[smem:$0x3FAE] =	sst s3  }
0xc: {  	[smem:$0x3FAF] =	sst s4  }
0xd: {  	[smem:$0x3FB0] =	sst s5  }
0xe: {  	[smem:$0x3FB1] =	sst s6  }
0xf: {  	[smem:$0x3FB2] =	sst s7  }
0x10: {  	[smem:$0x3FB3] =	sst s8  }
0x11: {  	[smem:$0x3FB4] =	sst s9;
	s0 =	simm.s32 @!p0 $0x0  }
0x12: {  	s1 =	sld [smem:$0x3F9A];
	s0 =	simm.s32 @p0 $0x1  }
0x13: {  	[smem:$0x3FB5] =	sst s0;
	s0 =	simm.s32 @!p1 $0x0  }
0x14: {  	s2 =	sld [smem:$0x3F99];
	s0 =	simm.s32 @p1 $0x1  }
0x15: {  	[smem:$0x3FB6] =	sst s0;
	s0 =	simm.s32 @!p2 $0x0  }
0x16: {  	s3 =	sld [smem:$0x3FDB];
	s0 =	simm.s32 @p2 $0x1  }
0x17: {  	s4 =	simm.s32 $0x1BF5;
	[smem:$0x3FB8] =	sst s0  }
0x18: {  	s0 =	sld [smem:$0x3F9B];
	_ =	swait.ge [sflag:s4], $0x0  }
0x19: {  	s7 =	sld [smem:$0x3F9C]  }
0x1a: {  	s8 =	sadd.s32 $0xFFFFE003, lr  }
0x1b: {  	s9 =	sadd.s32 $0xFFFFFEF7, lr;
	s5 =	simm.s32 $0xFFFFFFFF;
	p2 =	slt.u32 s8, $0xFFFFF086  }
0x1c: {  	p1 =	slt.u32 s9, $0xF7A;
	s5 =	simm.s32 @!p2 $0x0  }
0x1d: {  	s5 =	simm.s32 @p1 $0x1;
	p0 =	seq.s32 s7, s2  }
0x1e: {  	s7 =	smul.u32 @!p0 $0xF7A, s2;
	p2 =	seq.s32 @!p0 s5, $0x0  }
0x1f: {  	s9 =	smul.u32 $0xF7A, s1;
	s8 =	simm.s32 @!p0 $0x1BF5;
	p2 =	por !p2, p0  }
0x20: {  	[sflag:s8] =	ssyncset.s32 @!p0 $0xFFFFF086;
	s6 =	sadd.s32 @!p0 s3, s7;
	s7 =	simm.s32 @!p0 $0x108  }
0x21: {  	s3 =	sadd.s32 s3, s9;
	s6 =	sadd.s32 @!p0 $0x88, s6;
	s7 =	simm.s32 @p2 $0x1082  }
0x22: {  	[simem:s7], [sflag:s8] =	dma.local @!p0 [hbm:s6], $0xF7A  }
0x23: {  	s9 =	sor.u32 $0xD0000000, s2;
	s6 =	simm.s32 $0x108;
	_ =	swait.ge @!p0 [sflag:s8], $0x0  }
0x24: {  	s3 =	sadd.s32 $0x88, s3;
	s6 =	simm.s32 @!p1 $0x1082;
	[sflag:s4] =	ssyncset.s32 $0xFFFFF086  }
0x25: {  	[simem:s6], [sflag:s4] =	dma.local [hbm:s3], $0xF7A  }
0x26: {  	[smem:$0x3F9C] =	sst s1;
	(tag) =	ssettag s2;
	_ =	strace s9  }
0x27: {  	s1 =	sld [smem:$0x3FAC]  }
0x28: {  	s2 =	sld [smem:$0x3FAD]  }
0x29: {  	s4 =	sld [smem:$0x3FAF]  }
0x2a: {  	p0 =	seq.s32 s5, $0x0;
	s5 =	sld [smem:$0x3FB0]  }
0x2b: {  	s6 =	sld [smem:$0x3FB1]  }
0x2c: {  	s7 =	sld [smem:$0x3FB2]  }
0x2d: {  	s3 =	simm.s32 $0x108;
	s8 =	sld [smem:$0x3FB3]  }
0x2e: {  	s3 =	simm.s32 @!p0 $0x1082;
	s9 =	sld [smem:$0x3FB4]  }
0x2f: {  	lr =	sadd.s32 s0, s3;
	s0 =	sld [smem:$0x3FAB]  }
0x30: {  	s3 =	sld [smem:$0x3FAE]  }
0x31: {  	[smem:$0x3FB7] =	sst s10  }
0x32: {  	s10 =	sld [smem:$0x3FB5];
	_ =	sdelay $0x3  }
0x33: {  	p0 =	seq.s32 s10, $0x1;
	s10 =	sld [smem:$0x3FB7];
	_ =	sdelay $0x3  }
0x34: {  	[smem:$0x3FB7] =	sst s10  }
0x35: {  	s10 =	sld [smem:$0x3FB6];
	_ =	sdelay $0x3  }
0x36: {  	p1 =	seq.s32 s10, $0x1;
	s10 =	sld [smem:$0x3FB7];
	_ =	sdelay $0x3  }
0x37: {  	[smem:$0x3FB7] =	sst s10  }
0x38: {  	s10 =	sld [smem:$0x3FB8]  }
0x39: {  	_ = 	snop;
	(pc) =	sbr.ind lr, $3  }
0x3a: {  	_ = 	snop  }
0x3b: {  	_ = 	snop  }
0x3c: {  	p2 =	seq.s32 s10, $0x1;
	s10 =	sld [smem:$0x3FB7]  }
0x3d: {  	_ =	shalt  }
0x3e: {  	_ =	shalt  }
0x3f: {  	_ =	shalt  }
0x40: {  	_ =	shalt  }
0x41: {  	_ =	shalt  }
0x42: {  	_ =	shalt  }
0x43: {  	_ =	shalt  }
0x44: {  	_ =	shalt  }
0x45: {  	_ =	shalt  }
0x46: {  	_ =	shalt  }
0x47: {  	_ =	shalt  }
0x48: {  	_ =	shalt  }
0x49: {  	_ =	shalt  }
0x4a: {  	_ =	shalt  }
0x4b: {  	_ =	shalt  }
0x4c: {  	_ =	shalt  }
0x4d: {  	_ =	shalt  }
0x4e: {  	_ =	shalt  }
0x4f: {  	_ =	shalt  }
0x50: {  	_ =	shalt  }
0x51: {  	_ =	shalt  }
0x52: {  	_ =	shalt  }
0x53: {  	_ =	shalt  }
0x54: {  	_ =	shalt  }
0x55: {  	_ =	shalt  }
0x56: {  	_ =	shalt  }
0x57: {  	_ =	shalt  }
0x58: {  	_ =	shalt  }
0x59: {  	_ =	shalt  }
0x5a: {  	_ =	shalt  }
0x5b: {  	_ =	shalt  }
0x5c: {  	_ =	shalt  }
0x5d: {  	_ =	shalt  }
0x5e: {  	_ =	shalt  }
0x5f: {  	_ =	shalt  }
0x60: {  	_ =	shalt  }
0x61: {  	_ =	shalt  }
0x62: {  	_ =	shalt  }
0x63: {  	_ =	shalt  }
0x64: {  	_ =	shalt  }
0x65: {  	_ =	shalt  }
0x66: {  	_ =	shalt  }
0x67: {  	_ =	shalt  }
0x68: {  	_ =	shalt  }
0x69: {  	_ =	shalt  }
0x6a: {  	_ =	shalt  }
0x6b: {  	_ =	shalt  }
0x6c: {  	_ =	shalt  }
0x6d: {  	_ =	shalt  }
0x6e: {  	_ =	shalt  }
0x6f: {  	_ =	shalt  }
0x70: {  	_ =	shalt  }
0x71: {  	_ =	shalt  }
0x72: {  	_ =	shalt  }
0x73: {  	_ =	shalt  }
0x74: {  	_ =	shalt  }
0x75: {  	_ =	shalt  }
0x76: {  	_ =	shalt  }
0x77: {  	_ =	shalt  }
0x78: {  	_ =	shalt  }
0x79: {  	_ =	shalt  }
0x7a: {  	_ =	shalt  }
0x7b: {  	_ =	shalt  }
0x7c: {  	_ =	shalt  }
0x7d: {  	_ =	shalt  }
0x7e: {  	_ =	shalt  }
0x7f: {  	_ =	shalt  }
0x80: {  	_ =	shalt  }
0x81: {  	_ =	shalt  }
0x82: {  	_ =	shalt  }
0x83: {  	_ =	shalt  }
0x84: {  	_ =	shalt  }
0x85: {  	_ =	shalt  }
0x86: {  	_ =	shalt  }
0x87: {  	_ =	shalt  }
.Lfunc_end0:
.L_simem_size_0:
called_computation_lowered:
.L_overlay_start_0:
0x88: {  	s2 =	sld [smem:$0x3FD9]  }
0x89: {  	s3 =	sld [smem:$0x3FFE];
	_ =	sdelay $0x1  }
0x8a: {  	s1 =	srdreg.scid  }
0x8b: {  	s0 =	sand.u32 $0x1, s1  }
0x8c: {  	s17 =	sshll.u32 s0, $0xA;
	s2 =	sadd.s32 s3, s2  }
0x8d: {  	s2 =	sadd.s32 s2, s17  }
0x8e: {  	[smem:$0x3FC3] =	sst s2  }
0x8f: {  	_ = 	snop  }
0x90: {  	s2 =	sld [smem:$0x3FC8]  }
0x91: {  	s18 =	sld [smem:$0x3FD0];
	(tm) =	ssettm $0x1  }
0x92: {  	s4 =	sld [smem:$0x3FFB];
	_ =	sdelay $0x3  }
0x93: {  	_ =	strace s4  }
0x94: {  	s4 =	sld [smem:$0x3FFC];
	_ =	sdelay $0x3  }
0x95: {  	_ =	strace s4  }
0x96: {  	s4 =	sld [smem:$0x3FFD];
	_ =	sdelay $0x3  }
0x97: {  	_ =	strace s4  }
0x98: {  	_ =	strace $0x8FFFFFFF  }
0x99: {  	s19 =	sld [smem:$0x3FDB];
	_ =	sdelay $0x1  }
0x9a: {  	s5 =	simm.s32 $_scs_section_size  }
0x9b: {  	s6 =	simm.s32 $_size__tile_overlayer_lowered;
	s7 =	simm.s32 $_tile_overlayer_lowered  }
0x9c: {  	s22 =	simm.s32 $0x1BFF;
	s21 =	sshll.u32 s7, $0x1;
	s4 =	sadd.s32 s5, s19  }
0x9d: {  	s8 =	simm.s32 $0x0;
	s20 =	sshll.u32 s6, $0x1;
	s6 =	sadd.s32 s21, s4  }
0x9e: {  	[timem:s8], [sflag:s22] =	dma.local [hbm:s6], s20  }
0x9f: {  	_ =	swait.ge [sflag:s22], s20  }
0xa0: {  	s5 =	ssub.s32 $0x0, s20;
	[sflag:s22] =	ssyncset.done $0x0  }
0xa1: {  	[sflag:s22] =	ssyncadd.s32 s5;
	_ =	sdelay $0x1  }
0xa2: {  	s23 =	simm.s32 $0x1B8B  }
0xa3: {  	_ =	swait.ge [sflag:s23], $0x1  }
0xa4: {  	[sflag:s23] =	ssyncset.done $0x0  }
0xa5: {  	s25 =	simm.s32 $0x1B8E;
	s24 =	sld [smem:$0x3FFE];
	[sflag:s23] =	ssyncadd.s32 $0xFFFFFFFF  }
0xa6: {  	s26 =	simm.s32 $execute0_lowered;
	[smem:$0x3FD2] =	sst s25  }
0xa7: {  	s6 =	sshll.u32 s26, $0x1;
	_ =	strace $0x80000046;
	[dreg:$0x1] =	wrdreg $0xFFFFFFFF  }
0xa8: {  	s28 =	simm.s32 $_size_execute0_lowered;
	s4 =	sadd.s32 s4, s6;
	[dreg:$0x0] =	wrdreg $0x0  }
0xa9: {  	s6 =	sshll.u32 s28, $0x1;
	[dreg:$0x2] =	wrdreg s4  }
0xaa: {  	[dreg:$0x3] =	wrdreg s6  }
0xab: {  	[dreg:$0x4] =	wrdreg $0xC0  }
0xac: {  	_ =	task [dreg:s8], $0x5FFFF  }
0xad: {  	[dreg:$0x1] =	wrdreg $0xFFFFFFFF  }
0xae: {  	[dreg:$0x0] =	wrdreg $0x60  }
0xaf: {  	[dreg:$0x2] =	wrdreg s18  }
0xb0: {  	[dreg:$0x3] =	wrdreg s2  }
0xb1: {  	[dreg:$0x4] =	wrdreg s24  }
0xb2: {  	[dreg:$0x5] =	wrdreg $0x9  }
0xb3: {  	_ =	task.clear_ibuf [dreg:s8], $0x6FFFF;
	_ =	strace $0x90000046  }
0xb4: {  	s29 =	simm.s32 $0x9;
	_ =	strace $0x80000048  }
0xb5: {  	_ =	swait.ge [sflag:s29], $0x1  }
0xb6: {  	[sflag:s29] =	ssyncadd.s32 $0xFFFFFFFF  }
0xb7: {  	_ =	strace $0x90000048  }
0xb8: {  	_ =	sfence  }
0xb9: {  	s30 =	sld [smem:$0x0];
	_ =	sdelay $0x2  }
0xba: {  	s31 =	sshll.u32 s1, $0xD;
	s1 =	sshrl.u32 s1, $0x2  }
0xbb: {  	s3 =	sand.u32 $0x4000, s31;
	s1 =	sadd.s32 s1, s30  }
0xbc: {  	s0 =	sor.u32 s3, s0;
	s1 =	sshll.u32 s1, $0x11  }
0xbd: {  	s0 =	sor.u32 s1, s0  }
0xbe: {  	s0 =	sadd.s32 $0x8F2B, s0  }
0xbf: {  	[sflag:s0] =	ssyncadd.remote.s32 $0x1  }
0xc0: {  	_ =	sfence.sel $0xFFFF  }
0xc1: {  	[dreg:$0x0] =	wrdreg $0xFFFFFFFF;
	(pc) =	sbr.abs _section_cstart, $3  }
0xc2: {  	[dreg:$0x1] =	wrdreg $0xFFFFFFFF  }
0xc3: {  	_ =	task.clear_ibuf [dreg:s8], $0x2FFFF;
	_ =	strace $0x9FFFFFFF  }
0xc4: {  	(tm) =	ssettm $0x7FFFFFFF  }
0xc5: {  	_ =	shalt  }
tec
execute0_lowered:
.L_overlay_start_1:
0x0: {  	(tag) =	ssettag $0x1  }
0x1: {  	s0 =	rddreg [dreg:$0x0]  }
0x2: {  	s3 =	rddreg [dreg:$0x1]  }
0x3: {  	s1 =	rddreg [dreg:$0x2]  }
0x4: {  	s14 =	rddreg [dreg:$0x3];
	s4 =	simm.s32 $0x0;
	s2 =	srdreg.scid  }
0x5: {  	s8 =	stileid.u32;
	s29 =	simm.s32 $0x3;
	s31 =	simm.s32 $0x180  }
0x6: {  	s30 =	simm.s32 $0x1200;
	s28 =	simm.s32 $0x2200;
	s25 =	simm.s32 $0x5200  }
0x7: {  	s23 =	simm.s32 $0x6200;
	s24 =	simm.s32 $0x7200;
	s2 =	sand.u32 $0x1, s2  }
0x8: {  	s5 =	sshll.u32 s8, $0xD;
	s6 =	sshll.u32 s2, $0xC;
	s7 =	sshll.u32 s2, $0x6  }
0x9: {  	s26 =	sshll.u32 s8, $0x7;
	s5 =	sor.u32 s6, s5;
	s0 =	sadd.s32 s0, s7  }
0xa: {  	[smem:$0x7FF] =	sst s4;
	s1 =	sadd.s32 s5, s1;
	s0 =	sadd.s32 s26, s0  }
0xb: {  	_ =	strace $0x80000047;
	[dreg:$0x4] =	wrdreg s0;
	s8 =	sadd.s32 $0xE00, s1  }
0xc: {  	p0 =	por $0x0, $0x0;
	s9 =	sadd.s32 $0xE10, s1;
	[dreg:$0x5] =	wrdreg s8  }
0xd: {  	s2 =	ssub.s32 $0x2, s2;
	s10 =	sadd.s32 $0xE20, s1;
	[dreg:$0x6] =	wrdreg s9  }
0xe: {  	s19 =	sshrl.u32 s2, $0x1;
	s11 =	sadd.s32 $0xE30, s1;
	[dreg:$0x7] =	wrdreg s10  }
0xf: {  	s2 =	ssub.s32 s2, s19;
	s12 =	sadd.s32 $0xE40, s1;
	[dreg:$0x8] =	wrdreg s11  }
0x10: {  	s26 =	simm.s32 $0x3200;
	s13 =	sadd.s32 $0xE50, s1;
	[dreg:$0x9] =	wrdreg s12  }
0x11: {  	s19 =	simm.s32 $0xA200;
	s15 =	sadd.s32 $0xE60, s1;
	[dreg:$0xa] =	wrdreg s13  }
0x12: {  	s16 =	sadd.s32 $0xE70, s1;
	s17 =	sadd.s32 $0x20E00, s1;
	[dreg:$0xb] =	wrdreg s15  }
0x13: {  	s18 =	sadd.s32 $0x20E10, s1;
	s20 =	sadd.s32 $0x20E20, s1;
	[dreg:$0xc] =	wrdreg s16  }
0x14: {  	s21 =	sadd.s32 $0x20E30, s1;
	s5 =	sadd.s32 $0x20E40, s1;
	[dreg:$0xd] =	wrdreg s17  }
0x15: {  	s6 =	sadd.s32 $0x20E50, s1;
	s7 =	sadd.s32 $0x20E60, s1;
	[dreg:$0xe] =	wrdreg s18  }
0x16: {  	s22 =	smax.u32 s2, $0x1;
	s2 =	simm.s32 $0x2;
	[dreg:$0xf] =	wrdreg s20  }
0x17: {  	[dreg:$0x10] =	wrdreg s21;
	s8 =	sadd.s32 $0x20E70, s1;
	p1 =	sne.s32 s22, $0x1  }
.Ltmp0:
0x18: {  	s9 =	simm.s32 $0x80;
	s21 =	simm.s32 $0x200;
	(pc) =	sbr.rel @!p1 .LBB2_1-.Ltmp0, $4  }
0x19: {  	s20 =	simm.s32 $0x4200;
	s12 =	simm.s32 $0x8200;
	s11 =	simm.s32 $0xC200  }
0x1a: {  	s13 =	simm.s32 $0x1;
	s10 =	simm.s32 $0x400;
	s15 =	simm.s32 $0x9200  }
0x1b: {  	s0 =	sadd.s32 $0xFFFFFFFF, s22;
	s22 =	simm.s32 $0xB200;
	s16 =	simm.s32 $0xD200  }
0x1c: {  	s17 =	simm.s32 $0xE200;
	s18 =	simm.s32 $0xF200;
	s1 =	rddreg [dreg:$0x4]  }
0x1d: {  	[tilespmem:s4], [sflag:$0x3] =	stream.linear.gather [hbm4b:s1+s4], $0x200, $0x38;
	[tilespmem:$0x10200] =	vst v63  }
0x1e: {  	_ =	swait.ge [sflag:s29], $0x200  }
0x1f: {  	[sflag:s29] =	ssyncset.done $0x0  }
0x20: {  	[sflag:s29] =	ssyncadd.s32 $0xFFFFFE00  }
0x21: {  	[tilespmem:s21], [sflag:$0x1] =	stream.indirect.gather [hbm4b:s3+s9], $0x80, s4, s9, $0xb8;
	[tilespmem:$0x10200] =	vst v63  }
0x22: {  	_ = 	snop  }
0x23: {  	[tilespmem:s20], [sflag:$0x1] =	stream.indirect.gather [hbm4b:s3+s9], $0x80, s9, s9, $0xb8;
	[tilespmem:$0x10200] =	vst v63  }
0x24: {  	s1 =	simm.s32 $0x100  }
0x25: {  	[tilespmem:s12], [sflag:$0x1] =	stream.indirect.gather [hbm4b:s3+s9], $0x80, s1, s9, $0xb8;
	[tilespmem:$0x10200] =	vst v63  }
0x26: {  	_ = 	snop  }
0x27: {  	[tilespmem:s11], [sflag:$0x1] =	stream.indirect.gather [hbm4b:s3+s9], $0x80, s31, s9, $0xb8;
	[tilespmem:$0x10200] =	vst v63  }
0x28: {  	_ =	swait.ge [sflag:s13], $0x4000  }
0x29: {  	[sflag:s13] =	ssyncset.done $0x0  }
0x2a: {  	[sflag:s13] =	ssyncadd.s32 $0xFFFFC000  }
0x2b: {  	_ =	swait.ge [sflag:s13], $0x4000  }
0x2c: {  	[sflag:s13] =	ssyncset.done $0x0  }
0x2d: {  	s1 =	rddreg [dreg:$0x5];
	[sflag:s13] =	ssyncadd.s32 $0xFFFFC000  }
0x2e: {  	[hbm4b:s1+s9] =	stream.strided.scatter [tilespmem:s21], [sflag:$0x2], $0x1000, s10, s9, $0x38;
	[tilespmem:$0x10200] =	vst v63  }
0x2f: {  	s14 =	smov.u32 s0;
	s0 =	rddreg [dreg:$0x6]  }
0x30: {  	[hbm4b:s0+s9] =	stream.strided.scatter [tilespmem:s30], [sflag:$0x2], $0x1000, s10, s9, $0x38;
	[tilespmem:$0x10200] =	vst v63  }
0x31: {  	s1 =	rddreg [dreg:$0x7]  }
0x32: {  	[hbm4b:s1+s9] =	stream.strided.scatter [tilespmem:s28], [sflag:$0x2], $0x1000, s10, s9, $0x38;
	[tilespmem:$0x10200] =	vst v63  }
0x33: {  	s0 =	rddreg [dreg:$0x8]  }
0x34: {  	[hbm4b:s0+s9] =	stream.strided.scatter [tilespmem:s26], [sflag:$0x2], $0x1000, s10, s9, $0x38;
	[tilespmem:$0x10200] =	vst v63  }
0x35: {  	s1 =	rddreg [dreg:$0x9]  }
0x36: {  	[hbm4b:s1+s9] =	stream.strided.scatter [tilespmem:s20], [sflag:$0x2], $0x1000, s10, s9, $0x38;
	[tilespmem:$0x10200] =	vst v63  }
0x37: {  	s0 =	rddreg [dreg:$0xa]  }
0x38: {  	[hbm4b:s0+s9] =	stream.strided.scatter [tilespmem:s25], [sflag:$0x2], $0x1000, s10, s9, $0x38;
	[tilespmem:$0x10200] =	vst v63  }
0x39: {  	s1 =	rddreg [dreg:$0xb]  }
0x3a: {  	[hbm4b:s1+s9] =	stream.strided.scatter [tilespmem:s23], [sflag:$0x2], $0x1000, s10, s9, $0x38;
	[tilespmem:$0x10200] =	vst v63  }
0x3b: {  	s0 =	rddreg [dreg:$0xc]  }
0x3c: {  	[hbm4b:s0+s9] =	stream.strided.scatter [tilespmem:s24], [sflag:$0x2], $0x1000, s10, s9, $0x38;
	[tilespmem:$0x10200] =	vst v63  }
0x3d: {  	_ =	swait.ge [sflag:s13], $0x4000  }
0x3e: {  	[sflag:s13] =	ssyncset.done $0x0  }
0x3f: {  	[sflag:s13] =	ssyncadd.s32 $0xFFFFC000  }
0x40: {  	_ =	swait.ge [sflag:s13], $0x4000  }
0x41: {  	[sflag:s13] =	ssyncset.done $0x0  }
0x42: {  	s0 =	rddreg [dreg:$0xd];
	[sflag:s13] =	ssyncadd.s32 $0xFFFFC000  }
0x43: {  	[hbm4b:s0+s9] =	stream.strided.scatter [tilespmem:s12], [sflag:$0x2], $0x1000, s10, s9, $0x38;
	[tilespmem:$0x10200] =	vst v63  }
0x44: {  	s1 =	rddreg [dreg:$0xe]  }
0x45: {  	[hbm4b:s1+s9] =	stream.strided.scatter [tilespmem:s15], [sflag:$0x2], $0x1000, s10, s9, $0x38;
	[tilespmem:$0x10200] =	vst v63  }
0x46: {  	s0 =	rddreg [dreg:$0xf]  }
0x47: {  	[hbm4b:s0+s9] =	stream.strided.scatter [tilespmem:s19], [sflag:$0x2], $0x1000, s10, s9, $0x38;
	[tilespmem:$0x10200] =	vst v63  }
0x48: {  	s1 =	rddreg [dreg:$0x10]  }
0x49: {  	[hbm4b:s1+s9] =	stream.strided.scatter [tilespmem:s22], [sflag:$0x2], $0x1000, s10, s9, $0x38;
	[tilespmem:$0x10200] =	vst v63  }
0x4a: {  	_ = 	snop  }
0x4b: {  	[hbm4b:s5+s9] =	stream.strided.scatter [tilespmem:s11], [sflag:$0x2], $0x1000, s10, s9, $0x38;
	[tilespmem:$0x10200] =	vst v63  }
0x4c: {  	_ = 	snop  }
0x4d: {  	[hbm4b:s6+s9] =	stream.strided.scatter [tilespmem:s16], [sflag:$0x2], $0x1000, s10, s9, $0x38;
	[tilespmem:$0x10200] =	vst v63  }
0x4e: {  	_ = 	snop  }
0x4f: {  	[hbm4b:s7+s9] =	stream.strided.scatter [tilespmem:s17], [sflag:$0x2], $0x1000, s10, s9, $0x38;
	[tilespmem:$0x10200] =	vst v63  }
0x50: {  	_ = 	snop  }
0x51: {  	[hbm4b:s8+s9] =	stream.strided.scatter [tilespmem:s18], [sflag:$0x2], $0x1000, s10, s9, $0x38;
	[tilespmem:$0x10200] =	vst v63  }
0x52: {  	_ =	swait.ge [sflag:s2], $0x1000  }
0x53: {  	[sflag:s2] =	ssyncset.done $0x0  }
0x54: {  	[sflag:s2] =	ssyncadd.s32 $0xFFFFF000  }
0x55: {  	_ =	swait.ge [sflag:s2], $0x1000  }
0x56: {  	[sflag:s2] =	ssyncset.done $0x0  }
0x57: {  	[sflag:s2] =	ssyncadd.s32 $0xFFFFF000  }
0x58: {  	_ =	swait.ge [sflag:s2], $0x1000  }
0x59: {  	[sflag:s2] =	ssyncset.done $0x0  }
0x5a: {  	[sflag:s2] =	ssyncadd.s32 $0xFFFFF000  }
0x5b: {  	_ =	swait.ge [sflag:s2], $0x1000  }
0x5c: {  	[sflag:s2] =	ssyncset.done $0x0  }
0x5d: {  	[sflag:s2] =	ssyncadd.s32 $0xFFFFF000  }
0x5e: {  	_ =	swait.ge [sflag:s2], $0x1000  }
0x5f: {  	[sflag:s2] =	ssyncset.done $0x0  }
0x60: {  	[sflag:s2] =	ssyncadd.s32 $0xFFFFF000  }
0x61: {  	_ =	swait.ge [sflag:s2], $0x1000  }
0x62: {  	[sflag:s2] =	ssyncset.done $0x0  }
0x63: {  	[sflag:s2] =	ssyncadd.s32 $0xFFFFF000  }
0x64: {  	_ =	swait.ge [sflag:s2], $0x1000  }
0x65: {  	[sflag:s2] =	ssyncset.done $0x0  }
0x66: {  	[sflag:s2] =	ssyncadd.s32 $0xFFFFF000  }
0x67: {  	_ =	swait.ge [sflag:s2], $0x1000  }
0x68: {  	[sflag:s2] =	ssyncset.done $0x0  }
0x69: {  	[sflag:s2] =	ssyncadd.s32 $0xFFFFF000  }
0x6a: {  	_ =	swait.ge [sflag:s2], $0x1000  }
0x6b: {  	[sflag:s2] =	ssyncset.done $0x0  }
0x6c: {  	[sflag:s2] =	ssyncadd.s32 $0xFFFFF000  }
0x6d: {  	_ =	swait.ge [sflag:s2], $0x1000  }
0x6e: {  	[sflag:s2] =	ssyncset.done $0x0  }
0x6f: {  	[sflag:s2] =	ssyncadd.s32 $0xFFFFF000  }
0x70: {  	_ =	swait.ge [sflag:s2], $0x1000  }
0x71: {  	[sflag:s2] =	ssyncset.done $0x0  }
0x72: {  	[sflag:s2] =	ssyncadd.s32 $0xFFFFF000  }
0x73: {  	_ =	swait.ge [sflag:s2], $0x1000  }
0x74: {  	[sflag:s2] =	ssyncset.done $0x0  }
0x75: {  	[sflag:s2] =	ssyncadd.s32 $0xFFFFF000  }
0x76: {  	_ =	swait.ge [sflag:s2], $0x1000  }
0x77: {  	[sflag:s2] =	ssyncset.done $0x0  }
0x78: {  	[sflag:s2] =	ssyncadd.s32 $0xFFFFF000  }
0x79: {  	_ =	swait.ge [sflag:s2], $0x1000  }
0x7a: {  	[sflag:s2] =	ssyncset.done $0x0  }
0x7b: {  	p1 =	sne.s32 s14, $0x1;
	[sflag:s2] =	ssyncadd.s32 $0xFFFFF000  }
.Ltmp1:
0x7c: {  	_ =	swait.ge [sflag:s2], $0x1000;
	(pc) =	sbr.rel @!p1 .LBB2_3-.Ltmp1, $4  }
0x7d: {  	[sflag:s2] =	ssyncset.done $0x0  }
0x7e: {  	[sflag:s2] =	ssyncadd.s32 $0xFFFFF000  }
0x7f: {  	p0 =	por $0x1, $0x1;
	_ =	swait.ge [sflag:s2], $0x1000  }
0x80: {  	s0 =	sadd.s32 $0xFFFFFFFF, s14;
	s1 =	rddreg [dreg:$0x4];
	[sflag:s2] =	ssyncset.done $0x0  }
.LBB2_4:
0x81: {  	[sflag:s2] =	ssyncadd.s32 $0xFFFFF000  }
0x82: {  	[tilespmem:s4], [sflag:$0x3] =	stream.linear.gather [hbm4b:s1+s4], $0x200, $0x38;
	[tilespmem:$0x10200] =	vst v63  }
0x83: {  	_ =	swait.ge [sflag:s29], $0x200  }
0x84: {  	[sflag:s29] =	ssyncset.done $0x0  }
0x85: {  	[sflag:s29] =	ssyncadd.s32 $0xFFFFFE00  }
0x86: {  	[tilespmem:s21], [sflag:$0x1] =	stream.indirect.gather [hbm4b:s3+s9], $0x80, s4, s9, $0xb8;
	[tilespmem:$0x10200] =	vst v63  }
0x87: {  	_ = 	snop  }
0x88: {  	[tilespmem:s20], [sflag:$0x1] =	stream.indirect.gather [hbm4b:s3+s9], $0x80, s9, s9, $0xb8;
	[tilespmem:$0x10200] =	vst v63  }
0x89: {  	s14 =	simm.s32 $0x100  }
0x8a: {  	[tilespmem:s12], [sflag:$0x1] =	stream.indirect.gather [hbm4b:s3+s9], $0x80, s14, s9, $0xb8;
	[tilespmem:$0x10200] =	vst v63  }
0x8b: {  	_ = 	snop  }
0x8c: {  	[tilespmem:s11], [sflag:$0x1] =	stream.indirect.gather [hbm4b:s3+s9], $0x80, s31, s9, $0xb8;
	[tilespmem:$0x10200] =	vst v63  }
0x8d: {  	_ =	swait.ge [sflag:s13], $0x4000  }
0x8e: {  	[sflag:s13] =	ssyncset.done $0x0  }
0x8f: {  	[sflag:s13] =	ssyncadd.s32 $0xFFFFC000  }
0x90: {  	_ =	swait.ge [sflag:s13], $0x4000  }
0x91: {  	[sflag:s13] =	ssyncset.done $0x0  }
0x92: {  	s1 =	rddreg [dreg:$0x5];
	[sflag:s13] =	ssyncadd.s32 $0xFFFFC000  }
0x93: {  	[hbm4b:s1+s9] =	stream.strided.scatter [tilespmem:s21], [sflag:$0x2], $0x1000, s10, s9, $0x38;
	[tilespmem:$0x10200] =	vst v63  }
0x94: {  	s14 =	rddreg [dreg:$0x6]  }
0x95: {  	[hbm4b:s14+s9] =	stream.strided.scatter [tilespmem:s30], [sflag:$0x2], $0x1000, s10, s9, $0x38;
	[tilespmem:$0x10200] =	vst v63  }
0x96: {  	s1 =	rddreg [dreg:$0x7]  }
0x97: {  	[hbm4b:s1+s9] =	stream.strided.scatter [tilespmem:s28], [sflag:$0x2], $0x1000, s10, s9, $0x38;
	[tilespmem:$0x10200] =	vst v63  }
0x98: {  	s14 =	rddreg [dreg:$0x8]  }
0x99: {  	[hbm4b:s14+s9] =	stream.strided.scatter [tilespmem:s26], [sflag:$0x2], $0x1000, s10, s9, $0x38;
	[tilespmem:$0x10200] =	vst v63  }
0x9a: {  	s1 =	rddreg [dreg:$0x9]  }
0x9b: {  	[hbm4b:s1+s9] =	stream.strided.scatter [tilespmem:s20], [sflag:$0x2], $0x1000, s10, s9, $0x38;
	[tilespmem:$0x10200] =	vst v63  }
0x9c: {  	s14 =	rddreg [dreg:$0xa]  }
0x9d: {  	[hbm4b:s14+s9] =	stream.strided.scatter [tilespmem:s25], [sflag:$0x2], $0x1000, s10, s9, $0x38;
	[tilespmem:$0x10200] =	vst v63  }
0x9e: {  	s1 =	rddreg [dreg:$0xb]  }
0x9f: {  	[hbm4b:s1+s9] =	stream.strided.scatter [tilespmem:s23], [sflag:$0x2], $0x1000, s10, s9, $0x38;
	[tilespmem:$0x10200] =	vst v63  }
0xa0: {  	s14 =	rddreg [dreg:$0xc]  }
0xa1: {  	[hbm4b:s14+s9] =	stream.strided.scatter [tilespmem:s24], [sflag:$0x2], $0x1000, s10, s9, $0x38;
	[tilespmem:$0x10200] =	vst v63  }
0xa2: {  	_ =	swait.ge [sflag:s13], $0x4000  }
0xa3: {  	[sflag:s13] =	ssyncset.done $0x0  }
0xa4: {  	[sflag:s13] =	ssyncadd.s32 $0xFFFFC000  }
0xa5: {  	_ =	swait.ge [sflag:s13], $0x4000  }
0xa6: {  	[sflag:s13] =	ssyncset.done $0x0  }
0xa7: {  	s1 =	rddreg [dreg:$0xd];
	[sflag:s13] =	ssyncadd.s32 $0xFFFFC000  }
0xa8: {  	[hbm4b:s1+s9] =	stream.strided.scatter [tilespmem:s12], [sflag:$0x2], $0x1000, s10, s9, $0x38;
	[tilespmem:$0x10200] =	vst v63  }
0xa9: {  	s14 =	rddreg [dreg:$0xe]  }
0xaa: {  	[hbm4b:s14+s9] =	stream.strided.scatter [tilespmem:s15], [sflag:$0x2], $0x1000, s10, s9, $0x38;
	[tilespmem:$0x10200] =	vst v63  }
0xab: {  	s1 =	rddreg [dreg:$0xf]  }
0xac: {  	[hbm4b:s1+s9] =	stream.strided.scatter [tilespmem:s19], [sflag:$0x2], $0x1000, s10, s9, $0x38;
	[tilespmem:$0x10200] =	vst v63  }
0xad: {  	s14 =	rddreg [dreg:$0x10]  }
0xae: {  	[hbm4b:s14+s9] =	stream.strided.scatter [tilespmem:s22], [sflag:$0x2], $0x1000, s10, s9, $0x38;
	[tilespmem:$0x10200] =	vst v63  }
0xaf: {  	_ = 	snop  }
0xb0: {  	[hbm4b:s5+s9] =	stream.strided.scatter [tilespmem:s11], [sflag:$0x2], $0x1000, s10, s9, $0x38;
	[tilespmem:$0x10200] =	vst v63  }
0xb1: {  	_ = 	snop  }
0xb2: {  	[hbm4b:s6+s9] =	stream.strided.scatter [tilespmem:s16], [sflag:$0x2], $0x1000, s10, s9, $0x38;
	[tilespmem:$0x10200] =	vst v63  }
0xb3: {  	_ = 	snop  }
0xb4: {  	[hbm4b:s7+s9] =	stream.strided.scatter [tilespmem:s17], [sflag:$0x2], $0x1000, s10, s9, $0x38;
	[tilespmem:$0x10200] =	vst v63  }
0xb5: {  	_ = 	snop  }
0xb6: {  	[hbm4b:s8+s9] =	stream.strided.scatter [tilespmem:s18], [sflag:$0x2], $0x1000, s10, s9, $0x38;
	[tilespmem:$0x10200] =	vst v63  }
0xb7: {  	_ =	swait.ge [sflag:s2], $0x1000  }
0xb8: {  	[sflag:s2] =	ssyncset.done $0x0  }
0xb9: {  	[sflag:s2] =	ssyncadd.s32 $0xFFFFF000  }
0xba: {  	_ =	swait.ge [sflag:s2], $0x1000  }
0xbb: {  	[sflag:s2] =	ssyncset.done $0x0  }
0xbc: {  	[sflag:s2] =	ssyncadd.s32 $0xFFFFF000  }
0xbd: {  	_ =	swait.ge [sflag:s2], $0x1000  }
0xbe: {  	[sflag:s2] =	ssyncset.done $0x0  }
0xbf: {  	[sflag:s2] =	ssyncadd.s32 $0xFFFFF000  }
0xc0: {  	_ =	swait.ge [sflag:s2], $0x1000  }
0xc1: {  	[sflag:s2] =	ssyncset.done $0x0  }
0xc2: {  	[sflag:s2] =	ssyncadd.s32 $0xFFFFF000  }
0xc3: {  	_ =	swait.ge [sflag:s2], $0x1000  }
0xc4: {  	[sflag:s2] =	ssyncset.done $0x0  }
0xc5: {  	[sflag:s2] =	ssyncadd.s32 $0xFFFFF000  }
0xc6: {  	_ =	swait.ge [sflag:s2], $0x1000  }
0xc7: {  	[sflag:s2] =	ssyncset.done $0x0  }
0xc8: {  	[sflag:s2] =	ssyncadd.s32 $0xFFFFF000  }
0xc9: {  	_ =	swait.ge [sflag:s2], $0x1000  }
0xca: {  	[sflag:s2] =	ssyncset.done $0x0  }
0xcb: {  	[sflag:s2] =	ssyncadd.s32 $0xFFFFF000  }
0xcc: {  	_ =	swait.ge [sflag:s2], $0x1000  }
0xcd: {  	[sflag:s2] =	ssyncset.done $0x0  }
0xce: {  	[sflag:s2] =	ssyncadd.s32 $0xFFFFF000  }
0xcf: {  	_ =	swait.ge [sflag:s2], $0x1000  }
0xd0: {  	[sflag:s2] =	ssyncset.done $0x0  }
0xd1: {  	[sflag:s2] =	ssyncadd.s32 $0xFFFFF000  }
0xd2: {  	_ =	swait.ge [sflag:s2], $0x1000  }
0xd3: {  	[sflag:s2] =	ssyncset.done $0x0  }
0xd4: {  	[sflag:s2] =	ssyncadd.s32 $0xFFFFF000  }
0xd5: {  	_ =	swait.ge [sflag:s2], $0x1000  }
0xd6: {  	[sflag:s2] =	ssyncset.done $0x0  }
0xd7: {  	[sflag:s2] =	ssyncadd.s32 $0xFFFFF000  }
0xd8: {  	_ =	swait.ge [sflag:s2], $0x1000  }
0xd9: {  	[sflag:s2] =	ssyncset.done $0x0  }
0xda: {  	[sflag:s2] =	ssyncadd.s32 $0xFFFFF000  }
0xdb: {  	_ =	swait.ge [sflag:s2], $0x1000  }
0xdc: {  	[sflag:s2] =	ssyncset.done $0x0  }
0xdd: {  	[sflag:s2] =	ssyncadd.s32 $0xFFFFF000  }
0xde: {  	_ =	swait.ge [sflag:s2], $0x1000  }
0xdf: {  	[sflag:s2] =	ssyncset.done $0x0  }
0xe0: {  	p1 =	sne.s32 s0, $0x1;
	[sflag:s2] =	ssyncadd.s32 $0xFFFFF000  }
.Ltmp2:
0xe1: {  	_ =	swait.ge [sflag:s2], $0x1000;
	(pc) =	sbr.rel @p1 .LBB2_4-.Ltmp2, $4  }
0xe2: {  	[sflag:s2] =	ssyncset.done $0x0  }
0xe3: {  	[sflag:s2] =	ssyncadd.s32 $0xFFFFF000  }
0xe4: {  	_ =	swait.ge [sflag:s2], $0x1000  }
0xe5: {  	s0 =	sadd.s32 $0xFFFFFFFF, s0;
	s1 =	rddreg [dreg:$0x4];
	[sflag:s2] =	ssyncset.done $0x0  }
0xe6: {  	s31 =	simm.s32 $0x180;
	s0 =	simm.s32 $0x100;
	s30 =	simm.s32 $0x1200  }
0xe7: {  	s28 =	simm.s32 $0x2200;
	s26 =	simm.s32 $0x3200;
	s25 =	simm.s32 $0x5200  }
0xe8: {  	s24 =	simm.s32 $0x7200;
	s23 =	simm.s32 $0x6200;
	s22 =	simm.s32 $0xB200  }
0xe9: {  	s19 =	simm.s32 $0xA200;
	s18 =	simm.s32 $0xF200;
	s17 =	simm.s32 $0xE200  }
0xea: {  	s16 =	simm.s32 $0xD200;
	s15 =	simm.s32 $0x9200;
	s14 =	rddreg [dreg:$0x3]  }
.LBB2_6:
0xeb: {  	[sflag:s2] =	ssyncadd.s32 @p0 $0xFFFFF000  }
0xec: {  	[tilespmem:s4], [sflag:$0x3] =	stream.linear.gather [hbm4b:s1+s4], $0x200, $0x38;
	[tilespmem:$0x10200] =	vst v63  }
0xed: {  	_ =	swait.ge [sflag:s29], $0x200  }
0xee: {  	[sflag:s29] =	ssyncset.done $0x0  }
0xef: {  	[sflag:s29] =	ssyncadd.s32 $0xFFFFFE00  }
0xf0: {  	[tilespmem:s21], [sflag:$0x1] =	stream.indirect.gather [hbm4b:s3+s9], $0x80, s4, s9, $0xb8;
	[tilespmem:$0x10200] =	vst v63  }
0xf1: {  	_ = 	snop  }
0xf2: {  	[tilespmem:s20], [sflag:$0x1] =	stream.indirect.gather [hbm4b:s3+s9], $0x80, s9, s9, $0xb8;
	[tilespmem:$0x10200] =	vst v63  }
0xf3: {  	_ = 	snop  }
0xf4: {  	[tilespmem:s12], [sflag:$0x1] =	stream.indirect.gather [hbm4b:s3+s9], $0x80, s0, s9, $0xb8;
	[tilespmem:$0x10200] =	vst v63  }
0xf5: {  	_ = 	snop  }
0xf6: {  	[tilespmem:s11], [sflag:$0x1] =	stream.indirect.gather [hbm4b:s3+s9], $0x80, s31, s9, $0xb8;
	[tilespmem:$0x10200] =	vst v63  }
0xf7: {  	_ =	swait.ge [sflag:s13], $0x4000  }
0xf8: {  	[sflag:s13] =	ssyncset.done $0x0  }
0xf9: {  	[sflag:s13] =	ssyncadd.s32 $0xFFFFC000  }
0xfa: {  	_ =	swait.ge [sflag:s13], $0x4000  }
0xfb: {  	[sflag:s13] =	ssyncset.done $0x0  }
0xfc: {  	s3 =	rddreg [dreg:$0x5];
	[sflag:s13] =	ssyncadd.s32 $0xFFFFC000  }
0xfd: {  	[hbm4b:s3+s9] =	stream.strided.scatter [tilespmem:s21], [sflag:$0x2], $0x1000, s10, s9, $0x38;
	[tilespmem:$0x10200] =	vst v63  }
0xfe: {  	s4 =	rddreg [dreg:$0x6]  }
0xff: {  	[hbm4b:s4+s9] =	stream.strided.scatter [tilespmem:s30], [sflag:$0x2], $0x1000, s10, s9, $0x38;
	[tilespmem:$0x10200] =	vst v63  }
0x100: {  	s29 =	rddreg [dreg:$0x7]  }
0x101: {  	[hbm4b:s29+s9] =	stream.strided.scatter [tilespmem:s28], [sflag:$0x2], $0x1000, s10, s9, $0x38;
	[tilespmem:$0x10200] =	vst v63  }
0x102: {  	s31 =	rddreg [dreg:$0x8]  }
0x103: {  	[hbm4b:s31+s9] =	stream.strided.scatter [tilespmem:s26], [sflag:$0x2], $0x1000, s10, s9, $0x38;
	[tilespmem:$0x10200] =	vst v63  }
0x104: {  	s3 =	rddreg [dreg:$0x9]  }
0x105: {  	[hbm4b:s3+s9] =	stream.strided.scatter [tilespmem:s20], [sflag:$0x2], $0x1000, s10, s9, $0x38;
	[tilespmem:$0x10200] =	vst v63  }
0x106: {  	s4 =	rddreg [dreg:$0xa]  }
0x107: {  	[hbm4b:s4+s9] =	stream.strided.scatter [tilespmem:s25], [sflag:$0x2], $0x1000, s10, s9, $0x38;
	[tilespmem:$0x10200] =	vst v63  }
0x108: {  	s21 =	rddreg [dreg:$0xb]  }
0x109: {  	[hbm4b:s21+s9] =	stream.strided.scatter [tilespmem:s23], [sflag:$0x2], $0x1000, s10, s9, $0x38;
	[tilespmem:$0x10200] =	vst v63  }
0x10a: {  	s25 =	rddreg [dreg:$0xc]  }
0x10b: {  	[hbm4b:s25+s9] =	stream.strided.scatter [tilespmem:s24], [sflag:$0x2], $0x1000, s10, s9, $0x38;
	[tilespmem:$0x10200] =	vst v63  }
0x10c: {  	_ =	swait.ge [sflag:s13], $0x4000  }
0x10d: {  	[sflag:s13] =	ssyncset.done $0x0  }
0x10e: {  	[sflag:s13] =	ssyncadd.s32 $0xFFFFC000  }
0x10f: {  	_ =	swait.ge [sflag:s13], $0x4000  }
0x110: {  	[sflag:s13] =	ssyncset.done $0x0  }
0x111: {  	s26 =	rddreg [dreg:$0xd];
	[sflag:s13] =	ssyncadd.s32 $0xFFFFC000  }
0x112: {  	[hbm4b:s26+s9] =	stream.strided.scatter [tilespmem:s12], [sflag:$0x2], $0x1000, s10, s9, $0x38;
	[tilespmem:$0x10200] =	vst v63  }
0x113: {  	s28 =	rddreg [dreg:$0xe]  }
0x114: {  	[hbm4b:s28+s9] =	stream.strided.scatter [tilespmem:s15], [sflag:$0x2], $0x1000, s10, s9, $0x38;
	[tilespmem:$0x10200] =	vst v63  }
0x115: {  	s29 =	rddreg [dreg:$0xf]  }
0x116: {  	[hbm4b:s29+s9] =	stream.strided.scatter [tilespmem:s19], [sflag:$0x2], $0x1000, s10, s9, $0x38;
	[tilespmem:$0x10200] =	vst v63  }
0x117: {  	s30 =	rddreg [dreg:$0x10]  }
0x118: {  	[hbm4b:s30+s9] =	stream.strided.scatter [tilespmem:s22], [sflag:$0x2], $0x1000, s10, s9, $0x38;
	[tilespmem:$0x10200] =	vst v63  }
0x119: {  	_ = 	snop  }
0x11a: {  	[hbm4b:s5+s9] =	stream.strided.scatter [tilespmem:s11], [sflag:$0x2], $0x1000, s10, s9, $0x38;
	[tilespmem:$0x10200] =	vst v63  }
0x11b: {  	_ = 	snop  }
0x11c: {  	[hbm4b:s6+s9] =	stream.strided.scatter [tilespmem:s16], [sflag:$0x2], $0x1000, s10, s9, $0x38;
	[tilespmem:$0x10200] =	vst v63  }
0x11d: {  	_ = 	snop  }
0x11e: {  	[hbm4b:s7+s9] =	stream.strided.scatter [tilespmem:s17], [sflag:$0x2], $0x1000, s10, s9, $0x38;
	[tilespmem:$0x10200] =	vst v63  }
0x11f: {  	_ = 	snop  }
0x120: {  	[hbm4b:s8+s9] =	stream.strided.scatter [tilespmem:s18], [sflag:$0x2], $0x1000, s10, s9, $0x38;
	[tilespmem:$0x10200] =	vst v63  }
0x121: {  	_ =	swait.ge [sflag:s2], $0x1000  }
0x122: {  	[sflag:s2] =	ssyncset.done $0x0  }
0x123: {  	[sflag:s2] =	ssyncadd.s32 $0xFFFFF000  }
0x124: {  	_ =	swait.ge [sflag:s2], $0x1000  }
0x125: {  	[sflag:s2] =	ssyncset.done $0x0  }
0x126: {  	[sflag:s2] =	ssyncadd.s32 $0xFFFFF000  }
0x127: {  	_ =	swait.ge [sflag:s2], $0x1000  }
0x128: {  	[sflag:s2] =	ssyncset.done $0x0  }
0x129: {  	[sflag:s2] =	ssyncadd.s32 $0xFFFFF000  }
0x12a: {  	_ =	swait.ge [sflag:s2], $0x1000  }
0x12b: {  	[sflag:s2] =	ssyncset.done $0x0  }
0x12c: {  	[sflag:s2] =	ssyncadd.s32 $0xFFFFF000  }
0x12d: {  	_ =	swait.ge [sflag:s2], $0x1000  }
0x12e: {  	[sflag:s2] =	ssyncset.done $0x0  }
0x12f: {  	[sflag:s2] =	ssyncadd.s32 $0xFFFFF000  }
0x130: {  	_ =	swait.ge [sflag:s2], $0x1000  }
0x131: {  	[sflag:s2] =	ssyncset.done $0x0  }
0x132: {  	[sflag:s2] =	ssyncadd.s32 $0xFFFFF000  }
0x133: {  	_ =	swait.ge [sflag:s2], $0x1000  }
0x134: {  	[sflag:s2] =	ssyncset.done $0x0  }
0x135: {  	[sflag:s2] =	ssyncadd.s32 $0xFFFFF000  }
0x136: {  	_ =	swait.ge [sflag:s2], $0x1000  }
0x137: {  	[sflag:s2] =	ssyncset.done $0x0  }
0x138: {  	[sflag:s2] =	ssyncadd.s32 $0xFFFFF000  }
0x139: {  	_ =	swait.ge [sflag:s2], $0x1000  }
0x13a: {  	[sflag:s2] =	ssyncset.done $0x0  }
0x13b: {  	[sflag:s2] =	ssyncadd.s32 $0xFFFFF000  }
0x13c: {  	_ =	swait.ge [sflag:s2], $0x1000  }
0x13d: {  	[sflag:s2] =	ssyncset.done $0x0  }
0x13e: {  	[sflag:s2] =	ssyncadd.s32 $0xFFFFF000  }
0x13f: {  	_ =	swait.ge [sflag:s2], $0x1000  }
0x140: {  	[sflag:s2] =	ssyncset.done $0x0  }
0x141: {  	[sflag:s2] =	ssyncadd.s32 $0xFFFFF000  }
0x142: {  	_ =	swait.ge [sflag:s2], $0x1000  }
0x143: {  	[sflag:s2] =	ssyncset.done $0x0  }
0x144: {  	[sflag:s2] =	ssyncadd.s32 $0xFFFFF000  }
0x145: {  	_ =	swait.ge [sflag:s2], $0x1000  }
0x146: {  	[sflag:s2] =	ssyncset.done $0x0  }
0x147: {  	[sflag:s2] =	ssyncadd.s32 $0xFFFFF000  }
0x148: {  	_ =	swait.ge [sflag:s2], $0x1000  }
0x149: {  	[sflag:s2] =	ssyncset.done $0x0  }
0x14a: {  	[sflag:s2] =	ssyncadd.s32 $0xFFFFF000  }
0x14b: {  	_ =	swait.ge [sflag:s2], $0x1000  }
0x14c: {  	[sflag:s2] =	ssyncset.done $0x0  }
0x14d: {  	[sflag:s2] =	ssyncadd.s32 $0xFFFFF000  }
0x14e: {  	_ =	swait.ge [sflag:s2], $0x1000  }
0x14f: {  	[sflag:s2] =	ssyncset.done $0x0  }
0x150: {  	[sflag:s2] =	ssyncadd.s32 $0xFFFFF000  }
0x151: {  	_ =	sfence.sel $0x180000  }
0x152: {  	s31 =	stileid.u32;
	[bflag:$0x0] =	sbarrier.arrive $0xFFFF  }
0x153: {  	p0 =	sne.s32 s31, $0x0;
	_ =	strace $0x90000047  }
0x154: {  	s0 =	sadd.s32 @!p0 $0x100000, s14;
	[bflag:$0x2] =	sbarrier.arrive $0xFFFF  }
0x155: {  	[sflag:s0] =	ssyncadd.tile.s32 @!p0 $0x1;
	_ =	shalt  }
.LBB2_1:
.Ltmp3:
0x156: {  	s31 =	simm.s32 $0x180;
	s0 =	simm.s32 $0x100;
	(pc) =	sbr.rel .LBB2_6-.Ltmp3, $4  }
0x157: {  	s30 =	simm.s32 $0x1200;
	s28 =	simm.s32 $0x2200;
	s26 =	simm.s32 $0x3200  }
0x158: {  	s25 =	simm.s32 $0x5200;
	s24 =	simm.s32 $0x7200;
	s23 =	simm.s32 $0x6200  }
0x159: {  	s22 =	simm.s32 $0xB200;
	s19 =	simm.s32 $0xA200;
	s18 =	simm.s32 $0xF200  }
0x15a: {  	s17 =	simm.s32 $0xE200;
	s16 =	simm.s32 $0xD200;
	s15 =	simm.s32 $0x9200  }
.LBB2_3:
0x15b: {  	s31 =	simm.s32 $0x180  }
.Ltmp4:
0x15c: {  	s0 =	simm.s32 $0x100;
	s30 =	simm.s32 $0x1200;
	(pc) =	sbr.rel .LBB2_6-.Ltmp4, $4  }
0x15d: {  	s28 =	simm.s32 $0x2200;
	s26 =	simm.s32 $0x3200;
	s25 =	simm.s32 $0x5200  }
0x15e: {  	s24 =	simm.s32 $0x7200;
	s23 =	simm.s32 $0x6200;
	s22 =	simm.s32 $0xB200  }
0x15f: {  	s19 =	simm.s32 $0xA200;
	s18 =	simm.s32 $0xF200;
	s17 =	simm.s32 $0xE200  }
0x160: {  	s16 =	simm.s32 $0xD200;
	s15 =	simm.s32 $0x9200;
	s14 =	rddreg [dreg:$0x3]  }
.Lfunc_end2:
_tile_overlayer_lowered:
.L_overlay_start_2:
0x161: {  	(tag) =	ssettag $0x2  }
0x162: {  	s0 =	rddreg [dreg:$0x0];
	s2 =	stileid.u32  }
0x163: {  	s1 =	rddreg [dreg:$0x1];
	p0 =	sne.s32 s2, $0x0  }
0x164: {  	s3 =	rddreg [dreg:$0x2];
	[bflag:$0x3] =	sbarrier.arrive $0xFFFF;
	s2 =	simm.s32 @!p0 $0x1C03  }
0x165: {  	[timem:s3], [sflag:s2] =	dma.local @!p0 [hbm:s0], s1  }
0x166: {  	s0 =	simm.s32 @!p0 $0x3  }
0x167: {  	_ =	swait.ge @!p0 [sflag:s0], s1  }
0x168: {  	s1 =	ssub.s32 @!p0 $0x0, s1;
	[sflag:s0] =	ssyncset.done @!p0 $0x0  }
0x169: {  	[sflag:s0] =	ssyncadd.s32 @!p0 s1  }
0x16a: {  	[bflag:$0x3] =	sbarrier.arrive $0xFFFF  }
0x16b: {  	_ =	shalt  }

</sc_bundles>
